<compile_context>
chip_gen: v7x
topology: tpu7x:2x2x1
jax: 0.10.2.dev20260603
libtpu: 0.0.44.dev20260713+nightly
codegen_flags: <defaults>
</compile_context>

<pallas_src>
import functools

import jax
import jax.numpy as jnp
from jax import lax
from jax.experimental import pallas as pl
from jax.experimental.pallas import tpu as pltpu
from jax.experimental.pallas import tpu_sc as plsc

_N = 16384
_C = 1000
_C_TC = 808
_SC_BASE = _C_TC
_NW = 32
_RPW = (_C - _C_TC) // _NW
_LANES = 16
_BLOCK_N = 2048
_SCALE = 1.0 / (224.0 * 224.0)


def _tc_body(x_ref, t_ref, out_ref, acc_sum, acc_cnt):
    i = pl.program_id(0)
    first = i == 0

    def strip(r, carry):
        rows = pl.ds(r * 8, 8)

        def tile(j):
            xj = x_ref[rows, j * 128:(j + 1) * 128]
            tj = t_ref[rows, j * 128:(j + 1) * 128]
            dj = xj - tj
            mj = tj > 0.0
            return jnp.where(mj, dj * dj, 0.0), mj.astype(jnp.float32)

        ps, pc = tile(0)
        for j in range(1, _BLOCK_N // 128):
            vj, cj = tile(j)
            ps = ps + vj
            pc = pc + cj
        prev_s = jnp.where(first, 0.0, acc_sum[rows, :])
        prev_c = jnp.where(first, 0.0, acc_cnt[rows, :])
        acc_sum[rows, :] = prev_s + ps
        acc_cnt[rows, :] = prev_c + pc
        return carry

    lax.fori_loop(0, _C_TC // 8, strip, 0, unroll=False)

    @pl.when(i == pl.num_programs(0) - 1)
    def _fin():
        s = jnp.sum(acc_sum[...], axis=1, keepdims=True)
        n = jnp.sum(acc_cnt[...], axis=1, keepdims=True)
        mean = jnp.where(n > 0.0, s / jnp.maximum(n, 1.0), 0.0)
        out_ref[0, 0] = jnp.sum(mean) * _SCALE


_sc_mesh = plsc.VectorSubcoreMesh(core_axis_name="c", subcore_axis_name="s")


@functools.partial(
    pl.kernel,
    mesh=_sc_mesh,
    out_type=[
        jax.ShapeDtypeStruct((_NW, _RPW * _LANES), jnp.float32),
        jax.ShapeDtypeStruct((_NW, _RPW * _LANES), jnp.float32),
    ],
    scratch_types=[
        pltpu.VMEM((_N,), jnp.float32),
        pltpu.VMEM((_N,), jnp.float32),
        pltpu.VMEM((_RPW * _LANES,), jnp.float32),
        pltpu.VMEM((_RPW * _LANES,), jnp.float32),
    ],
)
def _sc_partial(x_hbm, t_hbm, sums_hbm, cnts_hbm, xbuf, tbuf, rsum, rcnt):
    cid = lax.axis_index("c")
    sid = lax.axis_index("s")
    wid = sid * 2 + cid

    zero16 = jnp.zeros((_LANES,), jnp.float32)

    def row_body(k, _):
        r = _SC_BASE + wid + _NW * k
        pltpu.sync_copy(x_hbm.at[r], xbuf)
        pltpu.sync_copy(t_hbm.at[r], tbuf)

        def inner(j, carry):
            accs = list(carry)
            base = j * (8 * _LANES)
            for u in range(8):
                xv = xbuf[pl.ds(base + u * _LANES, _LANES)]
                tv = tbuf[pl.ds(base + u * _LANES, _LANES)]
                d = xv - tv
                m = tv > 0.0
                mf = jnp.where(m, 1.0, 0.0)
                accs[2 * (u % 4)] = accs[2 * (u % 4)] + d * d * mf
                accs[2 * (u % 4) + 1] = accs[2 * (u % 4) + 1] + mf
            return tuple(accs)

        carry = lax.fori_loop(0, _N // (8 * _LANES), inner, (zero16,) * 8)
        acc = carry[0] + carry[2] + carry[4] + carry[6]
        cnt = carry[1] + carry[3] + carry[5] + carry[7]
        rsum[pl.ds(k * _LANES, _LANES)] = acc
        rcnt[pl.ds(k * _LANES, _LANES)] = cnt
        return 0

    lax.fori_loop(0, _RPW, row_body, 0)
    pltpu.sync_copy(rsum, sums_hbm.at[wid])
    pltpu.sync_copy(rcnt, cnts_hbm.at[wid])


def _combine_body(sums_ref, cnts_ref, tc_ref, out_ref):
    g = lax.broadcasted_iota(jnp.int32, (_RPW * _LANES, _RPW), 0) // _LANES
    h = lax.broadcasted_iota(jnp.int32, (_RPW * _LANES, _RPW), 1)
    sel = (g == h).astype(jnp.float32)
    s = jnp.dot(sums_ref[...], sel, preferred_element_type=jnp.float32)
    c = jnp.dot(cnts_ref[...], sel, preferred_element_type=jnp.float32)
    mean = jnp.where(c > 0.0, s / jnp.maximum(c, 1.0), 0.0)
    out_ref[0, 0] = jnp.sum(mean) * _SCALE + tc_ref[0, 0]


def kernel(inputs, targets):
    x_t = inputs.T
    t_t = targets.T

    tc_part = pl.pallas_call(
        _tc_body,
        grid=(_N // _BLOCK_N,),
        in_specs=[
            pl.BlockSpec((_C_TC, _BLOCK_N), lambda i: (0, i)),
            pl.BlockSpec((_C_TC, _BLOCK_N), lambda i: (0, i)),
        ],
        out_specs=pl.BlockSpec(memory_space=pltpu.SMEM),
        out_shape=jax.ShapeDtypeStruct((1, 1), jnp.float32),
        scratch_shapes=[
            pltpu.VMEM((_C_TC, 128), jnp.float32),
            pltpu.VMEM((_C_TC, 128), jnp.float32),
        ],
    )(x_t, t_t)

    sums, cnts = _sc_partial(x_t, t_t)

    out = pl.pallas_call(
        _combine_body,
        in_specs=[
            pl.BlockSpec(memory_space=pltpu.VMEM),
            pl.BlockSpec(memory_space=pltpu.VMEM),
            pl.BlockSpec(memory_space=pltpu.SMEM),
        ],
        out_specs=pl.BlockSpec(memory_space=pltpu.SMEM),
        out_shape=jax.ShapeDtypeStruct((1, 1), jnp.float32),
    )(sums, cnts, tc_part)
    return out[0, 0]

# --- scband reference (transcript-rebuilt; emitter-appended) ---
"""Pipeline reference for scband-selected-mseloss-33208687133246 (READ-ONLY COPY).

The authoritative reference and input builder live on the scoring server;
editing this copy changes nothing except your own understanding.
"""

import jax, jax.numpy as jnp
import numpy as np

IM_SIZE = 224

def setup_inputs(seed: int = 0) -> dict:
    key = jax.random.key(seed)
    k1, k2 = jax.random.split(key)
    inputs = jax.random.normal(k1, (16384, 1000), dtype=jnp.float32)
    targets = jax.random.normal(k2, (16384, 1000), dtype=jnp.float32)
    return {"inputs": inputs, "targets": targets}

def reference(inputs, targets):
    # MSELoss(reduction='none')
    losses = (inputs - targets) ** 2
    # mask = targets.gt(0.0)
    mask = targets > 0.0
    # per-column masked mean: masked_select(losses[:, x], mask[:, x]).mean() if any, else 0
    counts = jnp.sum(mask.astype(jnp.float32), axis=0)
    sums = jnp.sum(jnp.where(mask, losses, 0.0), axis=0)
    mean_losses = jnp.where(counts > 0, sums / jnp.maximum(counts, 1.0), 0.0)
    loss = jnp.sum(mean_losses) / (IM_SIZE ** 2)
    return loss

if __name__ == "__main__":
    import jax
    _d = setup_inputs()
    print(jax.jit(kernel)(*tuple(_d.values())))

</pallas_src>

<mosaic_0001>
#map = affine_map<(d0, d1) -> (0, 0)>
module attributes {stable_mosaic.version = 14 : i64} {
  func.func @_sc_partial(%arg0: i32, %arg1: i32, %arg2: memref<1000x16384xf32, #tpu.memory_space<hbm>>, %arg3: memref<1000x16384xf32, #tpu.memory_space<hbm>>, %arg4: memref<32x96xf32, #tpu.memory_space<hbm>>, %arg5: memref<32x96xf32, #tpu.memory_space<hbm>>, %arg6: memref<16384xf32, #tpu.memory_space<vmem>>, %arg7: memref<16384xf32, #tpu.memory_space<vmem>>, %arg8: memref<96xf32, #tpu.memory_space<vmem>>, %arg9: memref<96xf32, #tpu.memory_space<vmem>>) attributes {dimension_semantics = [#tpu.dimension_semantics<core_parallel>, #tpu.dimension_semantics<subcore_parallel>], iteration_bounds = array<i64: 2, 16>, scalar_prefetch = 0 : i64, scratch_operands = 4 : i64, tpu.core_type = #tpu.core_type<sc_vector_subcore>, window_params = [{transform_indices = #map}, {transform_indices = #map}, {transform_indices = #map}, {transform_indices = #map}]} {
    %mul3A = arith.constant 2 : i32
    %mul3A_0 = arith.muli %arg1, %mul3A : i32
    %add3A = arith.addi %mul3A_0, %arg0 : i32
    %broadcast_in_dim3A = arith.constant 0.000000e+00 : f32
    %broadcast_in_dim3A_1 = vector.broadcast %broadcast_in_dim3A : f32 to vector<16xf32>
    %scan3A = arith.constant 0 : i32
    %scan3A_2 = arith.constant 0 : i32
    %scan3A_3 = arith.constant 6 : i32
    %scan3A_4 = arith.addi %scan3A_2, %scan3A_3 : i32
    %scan3A_5 = arith.constant 1 : i32
    %scan3A_6 = scf.for %scan3A_8 = %scan3A_2 to %scan3A_4 step %scan3A_5 iter_args(%scan3A_9 = %scan3A) -> (i32)  : i32 {
      %add3A_10 = arith.constant 808 : i32
      %add3A_11 = arith.addi %add3A_10, %add3A : i32
      %mul3A_12 = arith.constant 32 : i32
      %mul3A_13 = arith.muli %mul3A_12, %scan3A_8 : i32
      %add3A_14 = arith.addi %add3A_11, %mul3A_13 : i32
      "tpu.region"() ({
        %run_scoped3A = tpu.sem_alloc : memref<!tpu.dma_semaphore, #tpu.memory_space<semaphore_mem>>
        %dma_start3A = arith.constant 0 : i32
        %dma_start3A_39 = tpu.memref_slice %arg2[%add3A_14, %dma_start3A] : memref<1000x16384xf32, #tpu.memory_space<hbm>> -> memref<1x16384xf32, #tpu.memory_space<hbm>>
        %dma_start3A_40 = tpu.memref_squeeze %dma_start3A_39 : memref<1x16384xf32, #tpu.memory_space<hbm>> -> memref<16384xf32, #tpu.memory_space<hbm>>
        %dma_start3A_41 = arith.constant 0 : i32
        %dma_start3A_42 = tpu.memref_slice %arg2[%add3A_14, %dma_start3A_41] : memref<1000x16384xf32, #tpu.memory_space<hbm>> -> memref<1x16384xf32, #tpu.memory_space<hbm>>
        %dma_start3A_43 = tpu.memref_squeeze %dma_start3A_42 : memref<1x16384xf32, #tpu.memory_space<hbm>> -> memref<16384xf32, #tpu.memory_space<hbm>>
        tpu.enqueue_dma source(%dma_start3A_43 : memref<16384xf32, #tpu.memory_space<hbm>>) target(%arg6 : memref<16384xf32, #tpu.memory_space<vmem>>) target_semaphore(%run_scoped3A : memref<!tpu.dma_semaphore, #tpu.memory_space<semaphore_mem>>)
        %dma_wait3A = arith.constant 0 : i32
        %dma_wait3A_44 = tpu.memref_slice %arg2[%add3A_14, %dma_wait3A] : memref<1000x16384xf32, #tpu.memory_space<hbm>> -> memref<1x16384xf32, #tpu.memory_space<hbm>>
        %dma_wait3A_45 = tpu.memref_squeeze %dma_wait3A_44 : memref<1x16384xf32, #tpu.memory_space<hbm>> -> memref<16384xf32, #tpu.memory_space<hbm>>
        %dma_wait3A_46 = arith.constant 0 : i32
        %dma_wait3A_47 = tpu.memref_slice %arg2[%add3A_14, %dma_wait3A_46] : memref<1000x16384xf32, #tpu.memory_space<hbm>> -> memref<1x16384xf32, #tpu.memory_space<hbm>>
        %dma_wait3A_48 = tpu.memref_squeeze %dma_wait3A_47 : memref<1x16384xf32, #tpu.memory_space<hbm>> -> memref<16384xf32, #tpu.memory_space<hbm>>
        tpu.wait_dma2 semaphore(%run_scoped3A : memref<!tpu.dma_semaphore, #tpu.memory_space<semaphore_mem>>) src(%dma_wait3A_48 : memref<16384xf32, #tpu.memory_space<hbm>>) dst(%arg6 : memref<16384xf32, #tpu.memory_space<vmem>>)
        tpu.yield
      }) : () -> ()
      "tpu.region"() ({
        %run_scoped3A = tpu.sem_alloc : memref<!tpu.dma_semaphore, #tpu.memory_space<semaphore_mem>>
        %dma_start3A = arith.constant 0 : i32
        %dma_start3A_39 = tpu.memref_slice %arg3[%add3A_14, %dma_start3A] : memref<1000x16384xf32, #tpu.memory_space<hbm>> -> memref<1x16384xf32, #tpu.memory_space<hbm>>
        %dma_start3A_40 = tpu.memref_squeeze %dma_start3A_39 : memref<1x16384xf32, #tpu.memory_space<hbm>> -> memref<16384xf32, #tpu.memory_space<hbm>>
        %dma_start3A_41 = arith.constant 0 : i32
        %dma_start3A_42 = tpu.memref_slice %arg3[%add3A_14, %dma_start3A_41] : memref<1000x16384xf32, #tpu.memory_space<hbm>> -> memref<1x16384xf32, #tpu.memory_space<hbm>>
        %dma_start3A_43 = tpu.memref_squeeze %dma_start3A_42 : memref<1x16384xf32, #tpu.memory_space<hbm>> -> memref<16384xf32, #tpu.memory_space<hbm>>
        tpu.enqueue_dma source(%dma_start3A_43 : memref<16384xf32, #tpu.memory_space<hbm>>) target(%arg7 : memref<16384xf32, #tpu.memory_space<vmem>>) target_semaphore(%run_scoped3A : memref<!tpu.dma_semaphore, #tpu.memory_space<semaphore_mem>>)
        %dma_wait3A = arith.constant 0 : i32
        %dma_wait3A_44 = tpu.memref_slice %arg3[%add3A_14, %dma_wait3A] : memref<1000x16384xf32, #tpu.memory_space<hbm>> -> memref<1x16384xf32, #tpu.memory_space<hbm>>
        %dma_wait3A_45 = tpu.memref_squeeze %dma_wait3A_44 : memref<1x16384xf32, #tpu.memory_space<hbm>> -> memref<16384xf32, #tpu.memory_space<hbm>>
        %dma_wait3A_46 = arith.constant 0 : i32
        %dma_wait3A_47 = tpu.memref_slice %arg3[%add3A_14, %dma_wait3A_46] : memref<1000x16384xf32, #tpu.memory_space<hbm>> -> memref<1x16384xf32, #tpu.memory_space<hbm>>
        %dma_wait3A_48 = tpu.memref_squeeze %dma_wait3A_47 : memref<1x16384xf32, #tpu.memory_space<hbm>> -> memref<16384xf32, #tpu.memory_space<hbm>>
        tpu.wait_dma2 semaphore(%run_scoped3A : memref<!tpu.dma_semaphore, #tpu.memory_space<semaphore_mem>>) src(%dma_wait3A_48 : memref<16384xf32, #tpu.memory_space<hbm>>) dst(%arg7 : memref<16384xf32, #tpu.memory_space<vmem>>)
        tpu.yield
      }) : () -> ()
      %scan3A_15 = arith.constant 0 : i32
      %scan3A_16 = arith.constant 128 : i32
      %scan3A_17 = arith.addi %scan3A_15, %scan3A_16 : i32
      %scan3A_18 = arith.constant 1 : i32
      %scan3A_19:8 = scf.for %scan3A_39 = %scan3A_15 to %scan3A_17 step %scan3A_18 iter_args(%scan3A_40 = %broadcast_in_dim3A_1, %scan3A_41 = %broadcast_in_dim3A_1, %scan3A_42 = %broadcast_in_dim3A_1, %scan3A_43 = %broadcast_in_dim3A_1, %scan3A_44 = %broadcast_in_dim3A_1, %scan3A_45 = %broadcast_in_dim3A_1, %scan3A_46 = %broadcast_in_dim3A_1, %scan3A_47 = %broadcast_in_dim3A_1) -> (vector<16xf32>, vector<16xf32>, vector<16xf32>, vector<16xf32>, vector<16xf32>, vector<16xf32>, vector<16xf32>, vector<16xf32>)  : i32 {
        %mul3A_48 = arith.constant 128 : i32
        %mul3A_49 = arith.muli %scan3A_39, %mul3A_48 : i32
        %add3A_50 = arith.constant 0 : i32
        %add3A_51 = arith.addi %mul3A_49, %add3A_50 : i32
        %get3A = arith.index_cast %add3A_51 : i32 to index
        %get3A_52 = tpu.vector_load %arg6[%get3A] {strides = array<i32>} : memref<16384xf32, #tpu.memory_space<vmem>>, vector<16xf32>,
        %get3A_53 = vector.shape_cast %get3A_52 : vector<16xf32> to vector<16xf32>
        %add3A_54 = arith.constant 0 : i32
        %add3A_55 = arith.addi %mul3A_49, %add3A_54 : i32
        %get3A_56 = arith.index_cast %add3A_55 : i32 to index
        %get3A_57 = tpu.vector_load %arg7[%get3A_56] {strides = array<i32>} : memref<16384xf32, #tpu.memory_space<vmem>>, vector<16xf32>,
        %get3A_58 = vector.shape_cast %get3A_57 : vector<16xf32> to vector<16xf32>
        %sub3A = arith.subf %get3A_53, %get3A_58 : vector<16xf32>
        %gt3A = arith.constant 0.000000e+00 : f32
        %gt3A_59 = vector.broadcast %gt3A : f32 to vector<16xf32>
        %gt3A_60 = arith.cmpf ogt, %get3A_58, %gt3A_59 : vector<16xf32>
        %jit3A = arith.constant 1.000000e+00 : f32
        %jit3A_61 = arith.constant 0.000000e+00 : f32
        %broadcast_in_dim3A_62 = vector.broadcast %jit3A : f32 to vector<16xf32>
        %broadcast_in_dim3A_63 = vector.broadcast %jit3A_61 : f32 to vector<16xf32>
        %select_n3A = arith.select %gt3A_60, %broadcast_in_dim3A_62, %broadcast_in_dim3A_63 : vector<16xi1>, vector<16xf32>
        %mul3A_64 = arith.mulf %sub3A, %sub3A : vector<16xf32>
        %mul3A_65 = arith.mulf %mul3A_64, %select_n3A : vector<16xf32>
        %add3A_66 = arith.addf %scan3A_40, %mul3A_65 : vector<16xf32>
        %add3A_67 = arith.addf %scan3A_41, %select_n3A : vector<16xf32>
        %add3A_68 = arith.constant 16 : i32
        %add3A_69 = arith.addi %mul3A_49, %add3A_68 : i32
        %get3A_70 = arith.index_cast %add3A_69 : i32 to index
        %get3A_71 = tpu.vector_load %arg6[%get3A_70] {strides = array<i32>} : memref<16384xf32, #tpu.memory_space<vmem>>, vector<16xf32>,
        %get3A_72 = vector.shape_cast %get3A_71 : vector<16xf32> to vector<16xf32>
        %add3A_73 = arith.constant 16 : i32
        %add3A_74 = arith.addi %mul3A_49, %add3A_73 : i32
        %get3A_75 = arith.index_cast %add3A_74 : i32 to index
        %get3A_76 = tpu.vector_load %arg7[%get3A_75] {strides = array<i32>} : memref<16384xf32, #tpu.memory_space<vmem>>, vector<16xf32>,
        %get3A_77 = vector.shape_cast %get3A_76 : vector<16xf32> to vector<16xf32>
        %sub3A_78 = arith.subf %get3A_72, %get3A_77 : vector<16xf32>
        %gt3A_79 = arith.constant 0.000000e+00 : f32
        %gt3A_80 = vector.broadcast %gt3A_79 : f32 to vector<16xf32>
        %gt3A_81 = arith.cmpf ogt, %get3A_77, %gt3A_80 : vector<16xf32>
        %jit3A_82 = arith.constant 1.000000e+00 : f32
        %jit3A_83 = arith.constant 0.000000e+00 : f32
        %broadcast_in_dim3A_84 = vector.broadcast %jit3A_82 : f32 to vector<16xf32>
        %broadcast_in_dim3A_85 = vector.broadcast %jit3A_83 : f32 to vector<16xf32>
        %select_n3A_86 = arith.select %gt3A_81, %broadcast_in_dim3A_84, %broadcast_in_dim3A_85 : vector<16xi1>, vector<16xf32>
        %mul3A_87 = arith.mulf %sub3A_78, %sub3A_78 : vector<16xf32>
        %mul3A_88 = arith.mulf %mul3A_87, %select_n3A_86 : vector<16xf32>
        %add3A_89 = arith.addf %scan3A_42, %mul3A_88 : vector<16xf32>
        %add3A_90 = arith.addf %scan3A_43, %select_n3A_86 : vector<16xf32>
        %add3A_91 = arith.constant 32 : i32
        %add3A_92 = arith.addi %mul3A_49, %add3A_91 : i32
        %get3A_93 = arith.index_cast %add3A_92 : i32 to index
        %get3A_94 = tpu.vector_load %arg6[%get3A_93] {strides = array<i32>} : memref<16384xf32, #tpu.memory_space<vmem>>, vector<16xf32>,
        %get3A_95 = vector.shape_cast %get3A_94 : vector<16xf32> to vector<16xf32>
        %add3A_96 = arith.constant 32 : i32
        %add3A_97 = arith.addi %mul3A_49, %add3A_96 : i32
        %get3A_98 = arith.index_cast %add3A_97 : i32 to index
        %get3A_99 = tpu.vector_load %arg7[%get3A_98] {strides = array<i32>} : memref<16384xf32, #tpu.memory_space<vmem>>, vector<16xf32>,
        %get3A_100 = vector.shape_cast %get3A_99 : vector<16xf32> to vector<16xf32>
        %sub3A_101 = arith.subf %get3A_95, %get3A_100 : vector<16xf32>
        %gt3A_102 = arith.constant 0.000000e+00 : f32
        %gt3A_103 = vector.broadcast %gt3A_102 : f32 to vector<16xf32>
        %gt3A_104 = arith.cmpf ogt, %get3A_100, %gt3A_103 : vector<16xf32>
        %jit3A_105 = arith.constant 1.000000e+00 : f32
        %jit3A_106 = arith.constant 0.000000e+00 : f32
        %broadcast_in_dim3A_107 = vector.broadcast %jit3A_105 : f32 to vector<16xf32>
        %broadcast_in_dim3A_108 = vector.broadcast %jit3A_106 : f32 to vector<16xf32>
        %select_n3A_109 = arith.select %gt3A_104, %broadcast_in_dim3A_107, %broadcast_in_dim3A_108 : vector<16xi1>, vector<16xf32>
        %mul3A_110 = arith.mulf %sub3A_101, %sub3A_101 : vector<16xf32>
        %mul3A_111 = arith.mulf %mul3A_110, %select_n3A_109 : vector<16xf32>
        %add3A_112 = arith.addf %scan3A_44, %mul3A_111 : vector<16xf32>
        %add3A_113 = arith.addf %scan3A_45, %select_n3A_109 : vector<16xf32>
        %add3A_114 = arith.constant 48 : i32
        %add3A_115 = arith.addi %mul3A_49, %add3A_114 : i32
        %get3A_116 = arith.index_cast %add3A_115 : i32 to index
        %get3A_117 = tpu.vector_load %arg6[%get3A_116] {strides = array<i32>} : memref<16384xf32, #tpu.memory_space<vmem>>, vector<16xf32>,
        %get3A_118 = vector.shape_cast %get3A_117 : vector<16xf32> to vector<16xf32>
        %add3A_119 = arith.constant 48 : i32
        %add3A_120 = arith.addi %mul3A_49, %add3A_119 : i32
        %get3A_121 = arith.index_cast %add3A_120 : i32 to index
        %get3A_122 = tpu.vector_load %arg7[%get3A_121] {strides = array<i32>} : memref<16384xf32, #tpu.memory_space<vmem>>, vector<16xf32>,
        %get3A_123 = vector.shape_cast %get3A_122 : vector<16xf32> to vector<16xf32>
        %sub3A_124 = arith.subf %get3A_118, %get3A_123 : vector<16xf32>
        %gt3A_125 = arith.constant 0.000000e+00 : f32
        %gt3A_126 = vector.broadcast %gt3A_125 : f32 to vector<16xf32>
        %gt3A_127 = arith.cmpf ogt, %get3A_123, %gt3A_126 : vector<16xf32>
        %jit3A_128 = arith.constant 1.000000e+00 : f32
        %jit3A_129 = arith.constant 0.000000e+00 : f32
        %broadcast_in_dim3A_130 = vector.broadcast %jit3A_128 : f32 to vector<16xf32>
        %broadcast_in_dim3A_131 = vector.broadcast %jit3A_129 : f32 to vector<16xf32>
        %select_n3A_132 = arith.select %gt3A_127, %broadcast_in_dim3A_130, %broadcast_in_dim3A_131 : vector<16xi1>, vector<16xf32>
        %mul3A_133 = arith.mulf %sub3A_124, %sub3A_124 : vector<16xf32>
        %mul3A_134 = arith.mulf %mul3A_133, %select_n3A_132 : vector<16xf32>
        %add3A_135 = arith.addf %scan3A_46, %mul3A_134 : vector<16xf32>
        %add3A_136 = arith.addf %scan3A_47, %select_n3A_132 : vector<16xf32>
        %add3A_137 = arith.constant 64 : i32
        %add3A_138 = arith.addi %mul3A_49, %add3A_137 : i32
        %get3A_139 = arith.index_cast %add3A_138 : i32 to index
        %get3A_140 = tpu.vector_load %arg6[%get3A_139] {strides = array<i32>} : memref<16384xf32, #tpu.memory_space<vmem>>, vector<16xf32>,
        %get3A_141 = vector.shape_cast %get3A_140 : vector<16xf32> to vector<16xf32>
        %add3A_142 = arith.constant 64 : i32
        %add3A_143 = arith.addi %mul3A_49, %add3A_142 : i32
        %get3A_144 = arith.index_cast %add3A_143 : i32 to index
        %get3A_145 = tpu.vector_load %arg7[%get3A_144] {strides = array<i32>} : memref<16384xf32, #tpu.memory_space<vmem>>, vector<16xf32>,
        %get3A_146 = vector.shape_cast %get3A_145 : vector<16xf32> to vector<16xf32>
        %sub3A_147 = arith.subf %get3A_141, %get3A_146 : vector<16xf32>
        %gt3A_148 = arith.constant 0.000000e+00 : f32
        %gt3A_149 = vector.broadcast %gt3A_148 : f32 to vector<16xf32>
        %gt3A_150 = arith.cmpf ogt, %get3A_146, %gt3A_149 : vector<16xf32>
        %jit3A_151 = arith.constant 1.000000e+00 : f32
        %jit3A_152 = arith.constant 0.000000e+00 : f32
        %broadcast_in_dim3A_153 = vector.broadcast %jit3A_151 : f32 to vector<16xf32>
        %broadcast_in_dim3A_154 = vector.broadcast %jit3A_152 : f32 to vector<16xf32>
        %select_n3A_155 = arith.select %gt3A_150, %broadcast_in_dim3A_153, %broadcast_in_dim3A_154 : vector<16xi1>, vector<16xf32>
        %mul3A_156 = arith.mulf %sub3A_147, %sub3A_147 : vector<16xf32>
        %mul3A_157 = arith.mulf %mul3A_156, %select_n3A_155 : vector<16xf32>
        %add3A_158 = arith.addf %add3A_66, %mul3A_157 : vector<16xf32>
        %add3A_159 = arith.addf %add3A_67, %select_n3A_155 : vector<16xf32>
        %add3A_160 = arith.constant 80 : i32
        %add3A_161 = arith.addi %mul3A_49, %add3A_160 : i32
        %get3A_162 = arith.index_cast %add3A_161 : i32 to index
        %get3A_163 = tpu.vector_load %arg6[%get3A_162] {strides = array<i32>} : memref<16384xf32, #tpu.memory_space<vmem>>, vector<16xf32>,
        %get3A_164 = vector.shape_cast %get3A_163 : vector<16xf32> to vector<16xf32>
        %add3A_165 = arith.constant 80 : i32
        %add3A_166 = arith.addi %mul3A_49, %add3A_165 : i32
        %get3A_167 = arith.index_cast %add3A_166 : i32 to index
        %get3A_168 = tpu.vector_load %arg7[%get3A_167] {strides = array<i32>} : memref<16384xf32, #tpu.memory_space<vmem>>, vector<16xf32>,
        %get3A_169 = vector.shape_cast %get3A_168 : vector<16xf32> to vector<16xf32>
        %sub3A_170 = arith.subf %get3A_164, %get3A_169 : vector<16xf32>
        %gt3A_171 = arith.constant 0.000000e+00 : f32
        %gt3A_172 = vector.broadcast %gt3A_171 : f32 to vector<16xf32>
        %gt3A_173 = arith.cmpf ogt, %get3A_169, %gt3A_172 : vector<16xf32>
        %jit3A_174 = arith.constant 1.000000e+00 : f32
        %jit3A_175 = arith.constant 0.000000e+00 : f32
        %broadcast_in_dim3A_176 = vector.broadcast %jit3A_174 : f32 to vector<16xf32>
        %broadcast_in_dim3A_177 = vector.broadcast %jit3A_175 : f32 to vector<16xf32>
        %select_n3A_178 = arith.select %gt3A_173, %broadcast_in_dim3A_176, %broadcast_in_dim3A_177 : vector<16xi1>, vector<16xf32>
        %mul3A_179 = arith.mulf %sub3A_170, %sub3A_170 : vector<16xf32>
        %mul3A_180 = arith.mulf %mul3A_179, %select_n3A_178 : vector<16xf32>
        %add3A_181 = arith.addf %add3A_89, %mul3A_180 : vector<16xf32>
        %add3A_182 = arith.addf %add3A_90, %select_n3A_178 : vector<16xf32>
        %add3A_183 = arith.constant 96 : i32
        %add3A_184 = arith.addi %mul3A_49, %add3A_183 : i32
        %get3A_185 = arith.index_cast %add3A_184 : i32 to index
        %get3A_186 = tpu.vector_load %arg6[%get3A_185] {strides = array<i32>} : memref<16384xf32, #tpu.memory_space<vmem>>, vector<16xf32>,
        %get3A_187 = vector.shape_cast %get3A_186 : vector<16xf32> to vector<16xf32>
        %add3A_188 = arith.constant 96 : i32
        %add3A_189 = arith.addi %mul3A_49, %add3A_188 : i32
        %get3A_190 = arith.index_cast %add3A_189 : i32 to index
        %get3A_191 = tpu.vector_load %arg7[%get3A_190] {strides = array<i32>} : memref<16384xf32, #tpu.memory_space<vmem>>, vector<16xf32>,
        %get3A_192 = vector.shape_cast %get3A_191 : vector<16xf32> to vector<16xf32>
        %sub3A_193 = arith.subf %get3A_187, %get3A_192 : vector<16xf32>
        %gt3A_194 = arith.constant 0.000000e+00 : f32
        %gt3A_195 = vector.broadcast %gt3A_194 : f32 to vector<16xf32>
        %gt3A_196 = arith.cmpf ogt, %get3A_192, %gt3A_195 : vector<16xf32>
        %jit3A_197 = arith.constant 1.000000e+00 : f32
        %jit3A_198 = arith.constant 0.000000e+00 : f32
        %broadcast_in_dim3A_199 = vector.broadcast %jit3A_197 : f32 to vector<16xf32>
        %broadcast_in_dim3A_200 = vector.broadcast %jit3A_198 : f32 to vector<16xf32>
        %select_n3A_201 = arith.select %gt3A_196, %broadcast_in_dim3A_199, %broadcast_in_dim3A_200 : vector<16xi1>, vector<16xf32>
        %mul3A_202 = arith.mulf %sub3A_193, %sub3A_193 : vector<16xf32>
        %mul3A_203 = arith.mulf %mul3A_202, %select_n3A_201 : vector<16xf32>
        %add3A_204 = arith.addf %add3A_112, %mul3A_203 : vector<16xf32>
        %add3A_205 = arith.addf %add3A_113, %select_n3A_201 : vector<16xf32>
        %add3A_206 = arith.constant 112 : i32
        %add3A_207 = arith.addi %mul3A_49, %add3A_206 : i32
        %get3A_208 = arith.index_cast %add3A_207 : i32 to index
        %get3A_209 = tpu.vector_load %arg6[%get3A_208] {strides = array<i32>} : memref<16384xf32, #tpu.memory_space<vmem>>, vector<16xf32>,
        %get3A_210 = vector.shape_cast %get3A_209 : vector<16xf32> to vector<16xf32>
        %add3A_211 = arith.constant 112 : i32
        %add3A_212 = arith.addi %mul3A_49, %add3A_211 : i32
        %get3A_213 = arith.index_cast %add3A_212 : i32 to index
        %get3A_214 = tpu.vector_load %arg7[%get3A_213] {strides = array<i32>} : memref<16384xf32, #tpu.memory_space<vmem>>, vector<16xf32>,
        %get3A_215 = vector.shape_cast %get3A_214 : vector<16xf32> to vector<16xf32>
        %sub3A_216 = arith.subf %get3A_210, %get3A_215 : vector<16xf32>
        %gt3A_217 = arith.constant 0.000000e+00 : f32
        %gt3A_218 = vector.broadcast %gt3A_217 : f32 to vector<16xf32>
        %gt3A_219 = arith.cmpf ogt, %get3A_215, %gt3A_218 : vector<16xf32>
        %jit3A_220 = arith.constant 1.000000e+00 : f32
        %jit3A_221 = arith.constant 0.000000e+00 : f32
        %broadcast_in_dim3A_222 = vector.broadcast %jit3A_220 : f32 to vector<16xf32>
        %broadcast_in_dim3A_223 = vector.broadcast %jit3A_221 : f32 to vector<16xf32>
        %select_n3A_224 = arith.select %gt3A_219, %broadcast_in_dim3A_222, %broadcast_in_dim3A_223 : vector<16xi1>, vector<16xf32>
        %mul3A_225 = arith.mulf %sub3A_216, %sub3A_216 : vector<16xf32>
        %mul3A_226 = arith.mulf %mul3A_225, %select_n3A_224 : vector<16xf32>
        %add3A_227 = arith.addf %add3A_135, %mul3A_226 : vector<16xf32>
        %add3A_228 = arith.addf %add3A_136, %select_n3A_224 : vector<16xf32>
        scf.yield %add3A_158, %add3A_159, %add3A_181, %add3A_182, %add3A_204, %add3A_205, %add3A_227, %add3A_228 : vector<16xf32>, vector<16xf32>, vector<16xf32>, vector<16xf32>, vector<16xf32>, vector<16xf32>, vector<16xf32>, vector<16xf32>
      }
      %scan3A_20 = arith.constant 128 : i32
      %add3A_21 = arith.addf %scan3A_19#0, %scan3A_19#2 : vector<16xf32>
      %add3A_22 = arith.addf %add3A_21, %scan3A_19#4 : vector<16xf32>
      %add3A_23 = arith.addf %add3A_22, %scan3A_19#6 : vector<16xf32>
      %add3A_24 = arith.addf %scan3A_19#1, %scan3A_19#3 : vector<16xf32>
      %add3A_25 = arith.addf %add3A_24, %scan3A_19#5 : vector<16xf32>
      %add3A_26 = arith.addf %add3A_25, %scan3A_19#7 : vector<16xf32>
      %mul3A_27 = arith.constant 16 : i32
      %mul3A_28 = arith.muli %scan3A_8, %mul3A_27 : i32
      %swap3A = arith.index_cast %mul3A_28 : i32 to index
      %swap3A_29 = tpu.vector_load %arg8[%swap3A] {strides = array<i32>} : memref<96xf32, #tpu.memory_space<vmem>>, vector<16xf32>,
      %swap3A_30 = vector.shape_cast %swap3A_29 : vector<16xf32> to vector<16xf32>
      %swap3A_31 = vector.shape_cast %add3A_23 : vector<16xf32> to vector<16xf32>
      tpu.vector_store %arg8[%swap3A], %swap3A_31 {strides = array<i32>} : memref<96xf32, #tpu.memory_space<vmem>>, vector<16xf32>,
      %mul3A_32 = arith.constant 16 : i32
      %mul3A_33 = arith.muli %scan3A_8, %mul3A_32 : i32
      %swap3A_34 = arith.index_cast %mul3A_33 : i32 to index
      %swap3A_35 = tpu.vector_load %arg9[%swap3A_34] {strides = array<i32>} : memref<96xf32, #tpu.memory_space<vmem>>, vector<16xf32>,
      %swap3A_36 = vector.shape_cast %swap3A_35 : vector<16xf32> to vector<16xf32>
      %swap3A_37 = vector.shape_cast %add3A_26 : vector<16xf32> to vector<16xf32>
      tpu.vector_store %arg9[%swap3A_34], %swap3A_37 {strides = array<i32>} : memref<96xf32, #tpu.memory_space<vmem>>, vector<16xf32>,
      %scan3A_38 = arith.constant 0 : i32
      scf.yield %scan3A_38 : i32
    }
    %scan3A_7 = arith.constant 6 : i32
    "tpu.region"() ({
      %run_scoped3A = tpu.sem_alloc : memref<!tpu.dma_semaphore, #tpu.memory_space<semaphore_mem>>
      %dma_start3A = arith.constant 0 : i32
      %dma_start3A_8 = tpu.memref_slice %arg4[%add3A, %dma_start3A] : memref<32x96xf32, #tpu.memory_space<hbm>> -> memref<1x96xf32, #tpu.memory_space<hbm>>
      %dma_start3A_9 = tpu.memref_squeeze %dma_start3A_8 : memref<1x96xf32, #tpu.memory_space<hbm>> -> memref<96xf32, #tpu.memory_space<hbm>>
      %dma_start3A_10 = arith.constant 0 : i32
      %dma_start3A_11 = tpu.memref_slice %arg4[%add3A, %dma_start3A_10] : memref<32x96xf32, #tpu.memory_space<hbm>> -> memref<1x96xf32, #tpu.memory_space<hbm>>
      %dma_start3A_12 = tpu.memref_squeeze %dma_start3A_11 : memref<1x96xf32, #tpu.memory_space<hbm>> -> memref<96xf32, #tpu.memory_space<hbm>>
      tpu.enqueue_dma source(%arg8 : memref<96xf32, #tpu.memory_space<vmem>>) target(%dma_start3A_12 : memref<96xf32, #tpu.memory_space<hbm>>) target_semaphore(%run_scoped3A : memref<!tpu.dma_semaphore, #tpu.memory_space<semaphore_mem>>)
      %dma_wait3A = arith.constant 0 : i32
      %dma_wait3A_13 = tpu.memref_slice %arg4[%add3A, %dma_wait3A] : memref<32x96xf32, #tpu.memory_space<hbm>> -> memref<1x96xf32, #tpu.memory_space<hbm>>
      %dma_wait3A_14 = tpu.memref_squeeze %dma_wait3A_13 : memref<1x96xf32, #tpu.memory_space<hbm>> -> memref<96xf32, #tpu.memory_space<hbm>>
      %dma_wait3A_15 = arith.constant 0 : i32
      %dma_wait3A_16 = tpu.memref_slice %arg4[%add3A, %dma_wait3A_15] : memref<32x96xf32, #tpu.memory_space<hbm>> -> memref<1x96xf32, #tpu.memory_space<hbm>>
      %dma_wait3A_17 = tpu.memref_squeeze %dma_wait3A_16 : memref<1x96xf32, #tpu.memory_space<hbm>> -> memref<96xf32, #tpu.memory_space<hbm>>
      tpu.wait_dma2 semaphore(%run_scoped3A : memref<!tpu.dma_semaphore, #tpu.memory_space<semaphore_mem>>) src(%arg8 : memref<96xf32, #tpu.memory_space<vmem>>) dst(%dma_wait3A_17 : memref<96xf32, #tpu.memory_space<hbm>>)
      tpu.yield
    }) : () -> ()
    "tpu.region"() ({
      %run_scoped3A = tpu.sem_alloc : memref<!tpu.dma_semaphore, #tpu.memory_space<semaphore_mem>>
      %dma_start3A = arith.constant 0 : i32
      %dma_start3A_8 = tpu.memref_slice %arg5[%add3A, %dma_start3A] : memref<32x96xf32, #tpu.memory_space<hbm>> -> memref<1x96xf32, #tpu.memory_space<hbm>>
      %dma_start3A_9 = tpu.memref_squeeze %dma_start3A_8 : memref<1x96xf32, #tpu.memory_space<hbm>> -> memref<96xf32, #tpu.memory_space<hbm>>
      %dma_start3A_10 = arith.constant 0 : i32
      %dma_start3A_11 = tpu.memref_slice %arg5[%add3A, %dma_start3A_10] : memref<32x96xf32, #tpu.memory_space<hbm>> -> memref<1x96xf32, #tpu.memory_space<hbm>>
      %dma_start3A_12 = tpu.memref_squeeze %dma_start3A_11 : memref<1x96xf32, #tpu.memory_space<hbm>> -> memref<96xf32, #tpu.memory_space<hbm>>
      tpu.enqueue_dma source(%arg9 : memref<96xf32, #tpu.memory_space<vmem>>) target(%dma_start3A_12 : memref<96xf32, #tpu.memory_space<hbm>>) target_semaphore(%run_scoped3A : memref<!tpu.dma_semaphore, #tpu.memory_space<semaphore_mem>>)
      %dma_wait3A = arith.constant 0 : i32
      %dma_wait3A_13 = tpu.memref_slice %arg5[%add3A, %dma_wait3A] : memref<32x96xf32, #tpu.memory_space<hbm>> -> memref<1x96xf32, #tpu.memory_space<hbm>>
      %dma_wait3A_14 = tpu.memref_squeeze %dma_wait3A_13 : memref<1x96xf32, #tpu.memory_space<hbm>> -> memref<96xf32, #tpu.memory_space<hbm>>
      %dma_wait3A_15 = arith.constant 0 : i32
      %dma_wait3A_16 = tpu.memref_slice %arg5[%add3A, %dma_wait3A_15] : memref<32x96xf32, #tpu.memory_space<hbm>> -> memref<1x96xf32, #tpu.memory_space<hbm>>
      %dma_wait3A_17 = tpu.memref_squeeze %dma_wait3A_16 : memref<1x96xf32, #tpu.memory_space<hbm>> -> memref<96xf32, #tpu.memory_space<hbm>>
      tpu.wait_dma2 semaphore(%run_scoped3A : memref<!tpu.dma_semaphore, #tpu.memory_space<semaphore_mem>>) src(%arg9 : memref<96xf32, #tpu.memory_space<vmem>>) dst(%dma_wait3A_17 : memref<96xf32, #tpu.memory_space<hbm>>)
      tpu.yield
    }) : () -> ()
    return
  }
}

module attributes {stable_mosaic.version = 14 : i64} {
  func.func @_tc_body(%arg0: i32, %arg1: memref<808x2048xf32, #tpu.memory_space<vmem>>, %arg2: memref<808x2048xf32, #tpu.memory_space<vmem>>, %arg3: memref<1x1xf32, #tpu.memory_space<smem>>, %arg4: memref<808x128xf32, #tpu.memory_space<vmem>>, %arg5: memref<808x128xf32, #tpu.memory_space<vmem>>) attributes {dimension_semantics = [#tpu.dimension_semantics<arbitrary>], iteration_bounds = array<i64: 8>, scalar_prefetch = 0 : i64, scratch_operands = 2 : i64, tpu.core_type = #tpu.core_type<tc>, window_params = [{transform_indices = @transform_0, window_bounds = array<i64: 808, 2048>}, {transform_indices = @transform_1, window_bounds = array<i64: 808, 2048>}, {transform_indices = @transform_2, window_bounds = array<i64: 1, 1>}]} {
    %eq3A = arith.constant 0 : i32
    %eq3A_0 = arith.cmpi eq, %arg0, %eq3A : i32
    %scan3A = arith.constant 0 : i32
    %scan3A_1 = arith.constant 101 : i32
    %scan3A_2 = arith.addi %scan3A, %scan3A_1 : i32
    %scan3A_3 = arith.constant 1 : i32
    scf.for %scan3A_8 = %scan3A to %scan3A_2 step %scan3A_3  : i32 {
      %mul3A = arith.constant 8 : i32
      %mul3A_9 = arith.muli %scan3A_8, %mul3A : i32
      %get3A = arith.index_cast %mul3A_9 : i32 to index
      %get3A_10 = arith.constant 0 : index
      %get3A_11 = vector.load %arg1[%get3A, %get3A_10] : memref<808x2048xf32, #tpu.memory_space<vmem>>, vector<8x128xf32>
      %get3A_12 = arith.index_cast %mul3A_9 : i32 to index
      %get3A_13 = arith.constant 0 : index
      %get3A_14 = vector.load %arg2[%get3A_12, %get3A_13] : memref<808x2048xf32, #tpu.memory_space<vmem>>, vector<8x128xf32>
      %sub3A = arith.subf %get3A_11, %get3A_14 : vector<8x128xf32>
      %gt3A = arith.constant 0.000000e+00 : f32
      %gt3A_15 = vector.broadcast %gt3A : f32 to vector<8x128xf32>
      %gt3A_16 = arith.cmpf ogt, %get3A_14, %gt3A_15 : vector<8x128xf32>
      %mul3A_17 = arith.mulf %sub3A, %sub3A : vector<8x128xf32>
      %jit3A = arith.constant 0.000000e+00 : f32
      %broadcast_in_dim3A = vector.broadcast %jit3A : f32 to vector<8x128xf32>
      %select_n3A = arith.select %gt3A_16, %mul3A_17, %broadcast_in_dim3A : vector<8x128xi1>, vector<8x128xf32>
      %convert_element_type3A_18 = arith.extui %gt3A_16 : vector<8x128xi1> to vector<8x128xi32>
      %convert_element_type3A_19 = arith.sitofp %convert_element_type3A_18 : vector<8x128xi32> to vector<8x128xf32>
      %get3A_20 = arith.index_cast %mul3A_9 : i32 to index
      %get3A_21 = arith.constant 128 : index
      %get3A_22 = vector.load %arg1[%get3A_20, %get3A_21] : memref<808x2048xf32, #tpu.memory_space<vmem>>, vector<8x128xf32>
      %get3A_23 = arith.index_cast %mul3A_9 : i32 to index
      %get3A_24 = arith.constant 128 : index
      %get3A_25 = vector.load %arg2[%get3A_23, %get3A_24] : memref<808x2048xf32, #tpu.memory_space<vmem>>, vector<8x128xf32>
      %sub3A_26 = arith.subf %get3A_22, %get3A_25 : vector<8x128xf32>
      %gt3A_27 = arith.constant 0.000000e+00 : f32
      %gt3A_28 = vector.broadcast %gt3A_27 : f32 to vector<8x128xf32>
      %gt3A_29 = arith.cmpf ogt, %get3A_25, %gt3A_28 : vector<8x128xf32>
      %mul3A_30 = arith.mulf %sub3A_26, %sub3A_26 : vector<8x128xf32>
      %jit3A_31 = arith.constant 0.000000e+00 : f32
      %broadcast_in_dim3A_32 = vector.broadcast %jit3A_31 : f32 to vector<8x128xf32>
      %select_n3A_33 = arith.select %gt3A_29, %mul3A_30, %broadcast_in_dim3A_32 : vector<8x128xi1>, vector<8x128xf32>
      %convert_element_type3A_34 = arith.extui %gt3A_29 : vector<8x128xi1> to vector<8x128xi32>
      %convert_element_type3A_35 = arith.sitofp %convert_element_type3A_34 : vector<8x128xi32> to vector<8x128xf32>
      %add3A = arith.addf %select_n3A, %select_n3A_33 : vector<8x128xf32>
      %add3A_36 = arith.addf %convert_element_type3A_19, %convert_element_type3A_35 : vector<8x128xf32>
      %get3A_37 = arith.index_cast %mul3A_9 : i32 to index
      %get3A_38 = arith.constant 256 : index
      %get3A_39 = vector.load %arg1[%get3A_37, %get3A_38] : memref<808x2048xf32, #tpu.memory_space<vmem>>, vector<8x128xf32>
      %get3A_40 = arith.index_cast %mul3A_9 : i32 to index
      %get3A_41 = arith.constant 256 : index
      %get3A_42 = vector.load %arg2[%get3A_40, %get3A_41] : memref<808x2048xf32, #tpu.memory_space<vmem>>, vector<8x128xf32>
      %sub3A_43 = arith.subf %get3A_39, %get3A_42 : vector<8x128xf32>
      %gt3A_44 = arith.constant 0.000000e+00 : f32
      %gt3A_45 = vector.broadcast %gt3A_44 : f32 to vector<8x128xf32>
      %gt3A_46 = arith.cmpf ogt, %get3A_42, %gt3A_45 : vector<8x128xf32>
      %mul3A_47 = arith.mulf %sub3A_43, %sub3A_43 : vector<8x128xf32>
      %jit3A_48 = arith.constant 0.000000e+00 : f32
      %broadcast_in_dim3A_49 = vector.broadcast %jit3A_48 : f32 to vector<8x128xf32>
      %select_n3A_50 = arith.select %gt3A_46, %mul3A_47, %broadcast_in_dim3A_49 : vector<8x128xi1>, vector<8x128xf32>
      %convert_element_type3A_51 = arith.extui %gt3A_46 : vector<8x128xi1> to vector<8x128xi32>
      %convert_element_type3A_52 = arith.sitofp %convert_element_type3A_51 : vector<8x128xi32> to vector<8x128xf32>
      %add3A_53 = arith.addf %add3A, %select_n3A_50 : vector<8x128xf32>
      %add3A_54 = arith.addf %add3A_36, %convert_element_type3A_52 : vector<8x128xf32>
      %get3A_55 = arith.index_cast %mul3A_9 : i32 to index
      %get3A_56 = arith.constant 384 : index
      %get3A_57 = vector.load %arg1[%get3A_55, %get3A_56] : memref<808x2048xf32, #tpu.memory_space<vmem>>, vector<8x128xf32>
      %get3A_58 = arith.index_cast %mul3A_9 : i32 to index
      %get3A_59 = arith.constant 384 : index
      %get3A_60 = vector.load %arg2[%get3A_58, %get3A_59] : memref<808x2048xf32, #tpu.memory_space<vmem>>, vector<8x128xf32>
      %sub3A_61 = arith.subf %get3A_57, %get3A_60 : vector<8x128xf32>
      %gt3A_62 = arith.constant 0.000000e+00 : f32
      %gt3A_63 = vector.broadcast %gt3A_62 : f32 to vector<8x128xf32>
      %gt3A_64 = arith.cmpf ogt, %get3A_60, %gt3A_63 : vector<8x128xf32>
      %mul3A_65 = arith.mulf %sub3A_61, %sub3A_61 : vector<8x128xf32>
      %jit3A_66 = arith.constant 0.000000e+00 : f32
      %broadcast_in_dim3A_67 = vector.broadcast %jit3A_66 : f32 to vector<8x128xf32>
      %select_n3A_68 = arith.select %gt3A_64, %mul3A_65, %broadcast_in_dim3A_67 : vector<8x128xi1>, vector<8x128xf32>
      %convert_element_type3A_69 = arith.extui %gt3A_64 : vector<8x128xi1> to vector<8x128xi32>
      %convert_element_type3A_70 = arith.sitofp %convert_element_type3A_69 : vector<8x128xi32> to vector<8x128xf32>
      %add3A_71 = arith.addf %add3A_53, %select_n3A_68 : vector<8x128xf32>
      %add3A_72 = arith.addf %add3A_54, %convert_element_type3A_70 : vector<8x128xf32>
      %get3A_73 = arith.index_cast %mul3A_9 : i32 to index
      %get3A_74 = arith.constant 512 : index
      %get3A_75 = vector.load %arg1[%get3A_73, %get3A_74] : memref<808x2048xf32, #tpu.memory_space<vmem>>, vector<8x128xf32>
      %get3A_76 = arith.index_cast %mul3A_9 : i32 to index
      %get3A_77 = arith.constant 512 : index
      %get3A_78 = vector.load %arg2[%get3A_76, %get3A_77] : memref<808x2048xf32, #tpu.memory_space<vmem>>, vector<8x128xf32>
      %sub3A_79 = arith.subf %get3A_75, %get3A_78 : vector<8x128xf32>
      %gt3A_80 = arith.constant 0.000000e+00 : f32
      %gt3A_81 = vector.broadcast %gt3A_80 : f32 to vector<8x128xf32>
      %gt3A_82 = arith.cmpf ogt, %get3A_78, %gt3A_81 : vector<8x128xf32>
      %mul3A_83 = arith.mulf %sub3A_79, %sub3A_79 : vector<8x128xf32>
      %jit3A_84 = arith.constant 0.000000e+00 : f32
      %broadcast_in_dim3A_85 = vector.broadcast %jit3A_84 : f32 to vector<8x128xf32>
      %select_n3A_86 = arith.select %gt3A_82, %mul3A_83, %broadcast_in_dim3A_85 : vector<8x128xi1>, vector<8x128xf32>
      %convert_element_type3A_87 = arith.extui %gt3A_82 : vector<8x128xi1> to vector<8x128xi32>
      %convert_element_type3A_88 = arith.sitofp %convert_element_type3A_87 : vector<8x128xi32> to vector<8x128xf32>
      %add3A_89 = arith.addf %add3A_71, %select_n3A_86 : vector<8x128xf32>
      %add3A_90 = arith.addf %add3A_72, %convert_element_type3A_88 : vector<8x128xf32>
      %get3A_91 = arith.index_cast %mul3A_9 : i32 to index
      %get3A_92 = arith.constant 640 : index
      %get3A_93 = vector.load %arg1[%get3A_91, %get3A_92] : memref<808x2048xf32, #tpu.memory_space<vmem>>, vector<8x128xf32>
      %get3A_94 = arith.index_cast %mul3A_9 : i32 to index
      %get3A_95 = arith.constant 640 : index
      %get3A_96 = vector.load %arg2[%get3A_94, %get3A_95] : memref<808x2048xf32, #tpu.memory_space<vmem>>, vector<8x128xf32>
      %sub3A_97 = arith.subf %get3A_93, %get3A_96 : vector<8x128xf32>
      %gt3A_98 = arith.constant 0.000000e+00 : f32
      %gt3A_99 = vector.broadcast %gt3A_98 : f32 to vector<8x128xf32>
      %gt3A_100 = arith.cmpf ogt, %get3A_96, %gt3A_99 : vector<8x128xf32>
      %mul3A_101 = arith.mulf %sub3A_97, %sub3A_97 : vector<8x128xf32>
      %jit3A_102 = arith.constant 0.000000e+00 : f32
      %broadcast_in_dim3A_103 = vector.broadcast %jit3A_102 : f32 to vector<8x128xf32>
      %select_n3A_104 = arith.select %gt3A_100, %mul3A_101, %broadcast_in_dim3A_103 : vector<8x128xi1>, vector<8x128xf32>
      %convert_element_type3A_105 = arith.extui %gt3A_100 : vector<8x128xi1> to vector<8x128xi32>
      %convert_element_type3A_106 = arith.sitofp %convert_element_type3A_105 : vector<8x128xi32> to vector<8x128xf32>
      %add3A_107 = arith.addf %add3A_89, %select_n3A_104 : vector<8x128xf32>
      %add3A_108 = arith.addf %add3A_90, %convert_element_type3A_106 : vector<8x128xf32>
      %get3A_109 = arith.index_cast %mul3A_9 : i32 to index
      %get3A_110 = arith.constant 768 : index
      %get3A_111 = vector.load %arg1[%get3A_109, %get3A_110] : memref<808x2048xf32, #tpu.memory_space<vmem>>, vector<8x128xf32>
      %get3A_112 = arith.index_cast %mul3A_9 : i32 to index
      %get3A_113 = arith.constant 768 : index
      %get3A_114 = vector.load %arg2[%get3A_112, %get3A_113] : memref<808x2048xf32, #tpu.memory_space<vmem>>, vector<8x128xf32>
      %sub3A_115 = arith.subf %get3A_111, %get3A_114 : vector<8x128xf32>
      %gt3A_116 = arith.constant 0.000000e+00 : f32
      %gt3A_117 = vector.broadcast %gt3A_116 : f32 to vector<8x128xf32>
      %gt3A_118 = arith.cmpf ogt, %get3A_114, %gt3A_117 : vector<8x128xf32>
      %mul3A_119 = arith.mulf %sub3A_115, %sub3A_115 : vector<8x128xf32>
      %jit3A_120 = arith.constant 0.000000e+00 : f32
      %broadcast_in_dim3A_121 = vector.broadcast %jit3A_120 : f32 to vector<8x128xf32>
      %select_n3A_122 = arith.select %gt3A_118, %mul3A_119, %broadcast_in_dim3A_121 : vector<8x128xi1>, vector<8x128xf32>
      %convert_element_type3A_123 = arith.extui %gt3A_118 : vector<8x128xi1> to vector<8x128xi32>
      %convert_element_type3A_124 = arith.sitofp %convert_element_type3A_123 : vector<8x128xi32> to vector<8x128xf32>
      %add3A_125 = arith.addf %add3A_107, %select_n3A_122 : vector<8x128xf32>
      %add3A_126 = arith.addf %add3A_108, %convert_element_type3A_124 : vector<8x128xf32>
      %get3A_127 = arith.index_cast %mul3A_9 : i32 to index
      %get3A_128 = arith.constant 896 : index
      %get3A_129 = vector.load %arg1[%get3A_127, %get3A_128] : memref<808x2048xf32, #tpu.memory_space<vmem>>, vector<8x128xf32>
      %get3A_130 = arith.index_cast %mul3A_9 : i32 to index
      %get3A_131 = arith.constant 896 : index
      %get3A_132 = vector.load %arg2[%get3A_130, %get3A_131] : memref<808x2048xf32, #tpu.memory_space<vmem>>, vector<8x128xf32>
      %sub3A_133 = arith.subf %get3A_129, %get3A_132 : vector<8x128xf32>
      %gt3A_134 = arith.constant 0.000000e+00 : f32
      %gt3A_135 = vector.broadcast %gt3A_134 : f32 to vector<8x128xf32>
      %gt3A_136 = arith.cmpf ogt, %get3A_132, %gt3A_135 : vector<8x128xf32>
      %mul3A_137 = arith.mulf %sub3A_133, %sub3A_133 : vector<8x128xf32>
      %jit3A_138 = arith.constant 0.000000e+00 : f32
      %broadcast_in_dim3A_139 = vector.broadcast %jit3A_138 : f32 to vector<8x128xf32>
      %select_n3A_140 = arith.select %gt3A_136, %mul3A_137, %broadcast_in_dim3A_139 : vector<8x128xi1>, vector<8x128xf32>
      %convert_element_type3A_141 = arith.extui %gt3A_136 : vector<8x128xi1> to vector<8x128xi32>
      %convert_element_type3A_142 = arith.sitofp %convert_element_type3A_141 : vector<8x128xi32> to vector<8x128xf32>
      %add3A_143 = arith.addf %add3A_125, %select_n3A_140 : vector<8x128xf32>
      %add3A_144 = arith.addf %add3A_126, %convert_element_type3A_142 : vector<8x128xf32>
      %get3A_145 = arith.index_cast %mul3A_9 : i32 to index
      %get3A_146 = arith.constant 1024 : index
      %get3A_147 = vector.load %arg1[%get3A_145, %get3A_146] : memref<808x2048xf32, #tpu.memory_space<vmem>>, vector<8x128xf32>
      %get3A_148 = arith.index_cast %mul3A_9 : i32 to index
      %get3A_149 = arith.constant 1024 : index
      %get3A_150 = vector.load %arg2[%get3A_148, %get3A_149] : memref<808x2048xf32, #tpu.memory_space<vmem>>, vector<8x128xf32>
      %sub3A_151 = arith.subf %get3A_147, %get3A_150 : vector<8x128xf32>
      %gt3A_152 = arith.constant 0.000000e+00 : f32
      %gt3A_153 = vector.broadcast %gt3A_152 : f32 to vector<8x128xf32>
      %gt3A_154 = arith.cmpf ogt, %get3A_150, %gt3A_153 : vector<8x128xf32>
      %mul3A_155 = arith.mulf %sub3A_151, %sub3A_151 : vector<8x128xf32>
      %jit3A_156 = arith.constant 0.000000e+00 : f32
      %broadcast_in_dim3A_157 = vector.broadcast %jit3A_156 : f32 to vector<8x128xf32>
      %select_n3A_158 = arith.select %gt3A_154, %mul3A_155, %broadcast_in_dim3A_157 : vector<8x128xi1>, vector<8x128xf32>
      %convert_element_type3A_159 = arith.extui %gt3A_154 : vector<8x128xi1> to vector<8x128xi32>
      %convert_element_type3A_160 = arith.sitofp %convert_element_type3A_159 : vector<8x128xi32> to vector<8x128xf32>
      %add3A_161 = arith.addf %add3A_143, %select_n3A_158 : vector<8x128xf32>
      %add3A_162 = arith.addf %add3A_144, %convert_element_type3A_160 : vector<8x128xf32>
      %get3A_163 = arith.index_cast %mul3A_9 : i32 to index
      %get3A_164 = arith.constant 1152 : index
      %get3A_165 = vector.load %arg1[%get3A_163, %get3A_164] : memref<808x2048xf32, #tpu.memory_space<vmem>>, vector<8x128xf32>
      %get3A_166 = arith.index_cast %mul3A_9 : i32 to index
      %get3A_167 = arith.constant 1152 : index
      %get3A_168 = vector.load %arg2[%get3A_166, %get3A_167] : memref<808x2048xf32, #tpu.memory_space<vmem>>, vector<8x128xf32>
      %sub3A_169 = arith.subf %get3A_165, %get3A_168 : vector<8x128xf32>
      %gt3A_170 = arith.constant 0.000000e+00 : f32
      %gt3A_171 = vector.broadcast %gt3A_170 : f32 to vector<8x128xf32>
      %gt3A_172 = arith.cmpf ogt, %get3A_168, %gt3A_171 : vector<8x128xf32>
      %mul3A_173 = arith.mulf %sub3A_169, %sub3A_169 : vector<8x128xf32>
      %jit3A_174 = arith.constant 0.000000e+00 : f32
      %broadcast_in_dim3A_175 = vector.broadcast %jit3A_174 : f32 to vector<8x128xf32>
      %select_n3A_176 = arith.select %gt3A_172, %mul3A_173, %broadcast_in_dim3A_175 : vector<8x128xi1>, vector<8x128xf32>
      %convert_element_type3A_177 = arith.extui %gt3A_172 : vector<8x128xi1> to vector<8x128xi32>
      %convert_element_type3A_178 = arith.sitofp %convert_element_type3A_177 : vector<8x128xi32> to vector<8x128xf32>
      %add3A_179 = arith.addf %add3A_161, %select_n3A_176 : vector<8x128xf32>
      %add3A_180 = arith.addf %add3A_162, %convert_element_type3A_178 : vector<8x128xf32>
      %get3A_181 = arith.index_cast %mul3A_9 : i32 to index
      %get3A_182 = arith.constant 1280 : index
      %get3A_183 = vector.load %arg1[%get3A_181, %get3A_182] : memref<808x2048xf32, #tpu.memory_space<vmem>>, vector<8x128xf32>
      %get3A_184 = arith.index_cast %mul3A_9 : i32 to index
      %get3A_185 = arith.constant 1280 : index
      %get3A_186 = vector.load %arg2[%get3A_184, %get3A_185] : memref<808x2048xf32, #tpu.memory_space<vmem>>, vector<8x128xf32>
      %sub3A_187 = arith.subf %get3A_183, %get3A_186 : vector<8x128xf32>
      %gt3A_188 = arith.constant 0.000000e+00 : f32
      %gt3A_189 = vector.broadcast %gt3A_188 : f32 to vector<8x128xf32>
      %gt3A_190 = arith.cmpf ogt, %get3A_186, %gt3A_189 : vector<8x128xf32>
      %mul3A_191 = arith.mulf %sub3A_187, %sub3A_187 : vector<8x128xf32>
      %jit3A_192 = arith.constant 0.000000e+00 : f32
      %broadcast_in_dim3A_193 = vector.broadcast %jit3A_192 : f32 to vector<8x128xf32>
      %select_n3A_194 = arith.select %gt3A_190, %mul3A_191, %broadcast_in_dim3A_193 : vector<8x128xi1>, vector<8x128xf32>
      %convert_element_type3A_195 = arith.extui %gt3A_190 : vector<8x128xi1> to vector<8x128xi32>
      %convert_element_type3A_196 = arith.sitofp %convert_element_type3A_195 : vector<8x128xi32> to vector<8x128xf32>
      %add3A_197 = arith.addf %add3A_179, %select_n3A_194 : vector<8x128xf32>
      %add3A_198 = arith.addf %add3A_180, %convert_element_type3A_196 : vector<8x128xf32>
      %get3A_199 = arith.index_cast %mul3A_9 : i32 to index
      %get3A_200 = arith.constant 1408 : index
      %get3A_201 = vector.load %arg1[%get3A_199, %get3A_200] : memref<808x2048xf32, #tpu.memory_space<vmem>>, vector<8x128xf32>
      %get3A_202 = arith.index_cast %mul3A_9 : i32 to index
      %get3A_203 = arith.constant 1408 : index
      %get3A_204 = vector.load %arg2[%get3A_202, %get3A_203] : memref<808x2048xf32, #tpu.memory_space<vmem>>, vector<8x128xf32>
      %sub3A_205 = arith.subf %get3A_201, %get3A_204 : vector<8x128xf32>
      %gt3A_206 = arith.constant 0.000000e+00 : f32
      %gt3A_207 = vector.broadcast %gt3A_206 : f32 to vector<8x128xf32>
      %gt3A_208 = arith.cmpf ogt, %get3A_204, %gt3A_207 : vector<8x128xf32>
      %mul3A_209 = arith.mulf %sub3A_205, %sub3A_205 : vector<8x128xf32>
      %jit3A_210 = arith.constant 0.000000e+00 : f32
      %broadcast_in_dim3A_211 = vector.broadcast %jit3A_210 : f32 to vector<8x128xf32>
      %select_n3A_212 = arith.select %gt3A_208, %mul3A_209, %broadcast_in_dim3A_211 : vector<8x128xi1>, vector<8x128xf32>
      %convert_element_type3A_213 = arith.extui %gt3A_208 : vector<8x128xi1> to vector<8x128xi32>
      %convert_element_type3A_214 = arith.sitofp %convert_element_type3A_213 : vector<8x128xi32> to vector<8x128xf32>
      %add3A_215 = arith.addf %add3A_197, %select_n3A_212 : vector<8x128xf32>
      %add3A_216 = arith.addf %add3A_198, %convert_element_type3A_214 : vector<8x128xf32>
      %get3A_217 = arith.index_cast %mul3A_9 : i32 to index
      %get3A_218 = arith.constant 1536 : index
      %get3A_219 = vector.load %arg1[%get3A_217, %get3A_218] : memref<808x2048xf32, #tpu.memory_space<vmem>>, vector<8x128xf32>
      %get3A_220 = arith.index_cast %mul3A_9 : i32 to index
      %get3A_221 = arith.constant 1536 : index
      %get3A_222 = vector.load %arg2[%get3A_220, %get3A_221] : memref<808x2048xf32, #tpu.memory_space<vmem>>, vector<8x128xf32>
      %sub3A_223 = arith.subf %get3A_219, %get3A_222 : vector<8x128xf32>
      %gt3A_224 = arith.constant 0.000000e+00 : f32
      %gt3A_225 = vector.broadcast %gt3A_224 : f32 to vector<8x128xf32>
      %gt3A_226 = arith.cmpf ogt, %get3A_222, %gt3A_225 : vector<8x128xf32>
      %mul3A_227 = arith.mulf %sub3A_223, %sub3A_223 : vector<8x128xf32>
      %jit3A_228 = arith.constant 0.000000e+00 : f32
      %broadcast_in_dim3A_229 = vector.broadcast %jit3A_228 : f32 to vector<8x128xf32>
      %select_n3A_230 = arith.select %gt3A_226, %mul3A_227, %broadcast_in_dim3A_229 : vector<8x128xi1>, vector<8x128xf32>
      %convert_element_type3A_231 = arith.extui %gt3A_226 : vector<8x128xi1> to vector<8x128xi32>
      %convert_element_type3A_232 = arith.sitofp %convert_element_type3A_231 : vector<8x128xi32> to vector<8x128xf32>
      %add3A_233 = arith.addf %add3A_215, %select_n3A_230 : vector<8x128xf32>
      %add3A_234 = arith.addf %add3A_216, %convert_element_type3A_232 : vector<8x128xf32>
      %get3A_235 = arith.index_cast %mul3A_9 : i32 to index
      %get3A_236 = arith.constant 1664 : index
      %get3A_237 = vector.load %arg1[%get3A_235, %get3A_236] : memref<808x2048xf32, #tpu.memory_space<vmem>>, vector<8x128xf32>
      %get3A_238 = arith.index_cast %mul3A_9 : i32 to index
      %get3A_239 = arith.constant 1664 : index
      %get3A_240 = vector.load %arg2[%get3A_238, %get3A_239] : memref<808x2048xf32, #tpu.memory_space<vmem>>, vector<8x128xf32>
      %sub3A_241 = arith.subf %get3A_237, %get3A_240 : vector<8x128xf32>
      %gt3A_242 = arith.constant 0.000000e+00 : f32
      %gt3A_243 = vector.broadcast %gt3A_242 : f32 to vector<8x128xf32>
      %gt3A_244 = arith.cmpf ogt, %get3A_240, %gt3A_243 : vector<8x128xf32>
      %mul3A_245 = arith.mulf %sub3A_241, %sub3A_241 : vector<8x128xf32>
      %jit3A_246 = arith.constant 0.000000e+00 : f32
      %broadcast_in_dim3A_247 = vector.broadcast %jit3A_246 : f32 to vector<8x128xf32>
      %select_n3A_248 = arith.select %gt3A_244, %mul3A_245, %broadcast_in_dim3A_247 : vector<8x128xi1>, vector<8x128xf32>
      %convert_element_type3A_249 = arith.extui %gt3A_244 : vector<8x128xi1> to vector<8x128xi32>
      %convert_element_type3A_250 = arith.sitofp %convert_element_type3A_249 : vector<8x128xi32> to vector<8x128xf32>
      %add3A_251 = arith.addf %add3A_233, %select_n3A_248 : vector<8x128xf32>
      %add3A_252 = arith.addf %add3A_234, %convert_element_type3A_250 : vector<8x128xf32>
      %get3A_253 = arith.index_cast %mul3A_9 : i32 to index
      %get3A_254 = arith.constant 1792 : index
      %get3A_255 = vector.load %arg1[%get3A_253, %get3A_254] : memref<808x2048xf32, #tpu.memory_space<vmem>>, vector<8x128xf32>
      %get3A_256 = arith.index_cast %mul3A_9 : i32 to index
      %get3A_257 = arith.constant 1792 : index
      %get3A_258 = vector.load %arg2[%get3A_256, %get3A_257] : memref<808x2048xf32, #tpu.memory_space<vmem>>, vector<8x128xf32>
      %sub3A_259 = arith.subf %get3A_255, %get3A_258 : vector<8x128xf32>
      %gt3A_260 = arith.constant 0.000000e+00 : f32
      %gt3A_261 = vector.broadcast %gt3A_260 : f32 to vector<8x128xf32>
      %gt3A_262 = arith.cmpf ogt, %get3A_258, %gt3A_261 : vector<8x128xf32>
      %mul3A_263 = arith.mulf %sub3A_259, %sub3A_259 : vector<8x128xf32>
      %jit3A_264 = arith.constant 0.000000e+00 : f32
      %broadcast_in_dim3A_265 = vector.broadcast %jit3A_264 : f32 to vector<8x128xf32>
      %select_n3A_266 = arith.select %gt3A_262, %mul3A_263, %broadcast_in_dim3A_265 : vector<8x128xi1>, vector<8x128xf32>
      %convert_element_type3A_267 = arith.extui %gt3A_262 : vector<8x128xi1> to vector<8x128xi32>
      %convert_element_type3A_268 = arith.sitofp %convert_element_type3A_267 : vector<8x128xi32> to vector<8x128xf32>
      %add3A_269 = arith.addf %add3A_251, %select_n3A_266 : vector<8x128xf32>
      %add3A_270 = arith.addf %add3A_252, %convert_element_type3A_268 : vector<8x128xf32>
      %get3A_271 = arith.index_cast %mul3A_9 : i32 to index
      %get3A_272 = arith.constant 1920 : index
      %get3A_273 = vector.load %arg1[%get3A_271, %get3A_272] : memref<808x2048xf32, #tpu.memory_space<vmem>>, vector<8x128xf32>
      %get3A_274 = arith.index_cast %mul3A_9 : i32 to index
      %get3A_275 = arith.constant 1920 : index
      %get3A_276 = vector.load %arg2[%get3A_274, %get3A_275] : memref<808x2048xf32, #tpu.memory_space<vmem>>, vector<8x128xf32>
      %sub3A_277 = arith.subf %get3A_273, %get3A_276 : vector<8x128xf32>
      %gt3A_278 = arith.constant 0.000000e+00 : f32
      %gt3A_279 = vector.broadcast %gt3A_278 : f32 to vector<8x128xf32>
      %gt3A_280 = arith.cmpf ogt, %get3A_276, %gt3A_279 : vector<8x128xf32>
      %mul3A_281 = arith.mulf %sub3A_277, %sub3A_277 : vector<8x128xf32>
      %jit3A_282 = arith.constant 0.000000e+00 : f32
      %broadcast_in_dim3A_283 = vector.broadcast %jit3A_282 : f32 to vector<8x128xf32>
      %select_n3A_284 = arith.select %gt3A_280, %mul3A_281, %broadcast_in_dim3A_283 : vector<8x128xi1>, vector<8x128xf32>
      %convert_element_type3A_285 = arith.extui %gt3A_280 : vector<8x128xi1> to vector<8x128xi32>
      %convert_element_type3A_286 = arith.sitofp %convert_element_type3A_285 : vector<8x128xi32> to vector<8x128xf32>
      %add3A_287 = arith.addf %add3A_269, %select_n3A_284 : vector<8x128xf32>
      %add3A_288 = arith.addf %add3A_270, %convert_element_type3A_286 : vector<8x128xf32>
      %get3A_289 = arith.index_cast %mul3A_9 : i32 to index
      %get3A_290 = arith.constant 0 : index
      %get3A_291 = vector.load %arg4[%get3A_289, %get3A_290] : memref<808x128xf32, #tpu.memory_space<vmem>>, vector<8x128xf32>
      %jit3A_292 = arith.constant 0.000000e+00 : f32
      %broadcast_in_dim3A_293 = vector.broadcast %jit3A_292 : f32 to vector<8x128xf32>
      %select_n3A_294 = arith.select %eq3A_0, %broadcast_in_dim3A_293, %get3A_291 : vector<8x128xf32>
      %get3A_295 = arith.index_cast %mul3A_9 : i32 to index
      %get3A_296 = arith.constant 0 : index
      %get3A_297 = vector.load %arg5[%get3A_295, %get3A_296] : memref<808x128xf32, #tpu.memory_space<vmem>>, vector<8x128xf32>
      %jit3A_298 = arith.constant 0.000000e+00 : f32
      %broadcast_in_dim3A_299 = vector.broadcast %jit3A_298 : f32 to vector<8x128xf32>
      %select_n3A_300 = arith.select %eq3A_0, %broadcast_in_dim3A_299, %get3A_297 : vector<8x128xf32>
      %add3A_301 = arith.addf %select_n3A_294, %add3A_287 : vector<8x128xf32>
      %swap3A = arith.index_cast %mul3A_9 : i32 to index
      %swap3A_302 = arith.constant 0 : index
      %swap3A_303 = vector.load %arg4[%swap3A, %swap3A_302] : memref<808x128xf32, #tpu.memory_space<vmem>>, vector<8x128xf32>
      tpu.vector_store %arg4[%swap3A, %swap3A_302], %add3A_301 {strides = array<i32>} : memref<808x128xf32, #tpu.memory_space<vmem>>, vector<8x128xf32>,
      %add3A_304 = arith.addf %select_n3A_300, %add3A_288 : vector<8x128xf32>
      %swap3A_305 = arith.index_cast %mul3A_9 : i32 to index
      %swap3A_306 = arith.constant 0 : index
      %swap3A_307 = vector.load %arg5[%swap3A_305, %swap3A_306] : memref<808x128xf32, #tpu.memory_space<vmem>>, vector<8x128xf32>
      tpu.vector_store %arg5[%swap3A_305, %swap3A_306], %add3A_304 {strides = array<i32>} : memref<808x128xf32, #tpu.memory_space<vmem>>, vector<8x128xf32>,
    }
    %scan3A_4 = arith.constant 101 : i32
    %eq3A_5 = arith.constant 7 : i32
    %eq3A_6 = arith.cmpi eq, %arg0, %eq3A_5 : i32
    %convert_element_type3A = arith.extui %eq3A_6 : i1 to i32
    %cond3A = arith.constant 0 : i32
    %cond3A_7 = arith.cmpi ne, %convert_element_type3A, %cond3A : i32
    scf.if %cond3A_7 {
      %get3A = arith.constant 0 : index
      %get3A_8 = arith.constant 0 : index
      %get3A_9 = vector.load %arg4[%get3A, %get3A_8] : memref<808x128xf32, #tpu.memory_space<vmem>>, vector<808x128xf32>
      %reduce_sum3A = arith.constant dense<0.000000e+00> : vector<808xf32>
      %reduce_sum3A_10 = vector.multi_reduction <add>, %get3A_9, %reduce_sum3A [1] : vector<808x128xf32> to vector<808xf32>
      %broadcast_in_dim3A = vector.shape_cast %reduce_sum3A_10 : vector<808xf32> to vector<808x1xf32>
      %get3A_11 = arith.constant 0 : index
      %get3A_12 = arith.constant 0 : index
      %get3A_13 = vector.load %arg5[%get3A_11, %get3A_12] : memref<808x128xf32, #tpu.memory_space<vmem>>, vector<808x128xf32>
      %reduce_sum3A_14 = arith.constant dense<0.000000e+00> : vector<808xf32>
      %reduce_sum3A_15 = vector.multi_reduction <add>, %get3A_13, %reduce_sum3A_14 [1] : vector<808x128xf32> to vector<808xf32>
      %broadcast_in_dim3A_16 = vector.shape_cast %reduce_sum3A_15 : vector<808xf32> to vector<808x1xf32>
      %gt3A = arith.constant 0.000000e+00 : f32
      %gt3A_17 = vector.broadcast %gt3A : f32 to vector<808x1xf32>
      %gt3A_18 = arith.cmpf ogt, %broadcast_in_dim3A_16, %gt3A_17 : vector<808x1xf32>
      %max3A = arith.constant 1.000000e+00 : f32
      %max3A_19 = vector.broadcast %max3A : f32 to vector<808x1xf32>
      %max3A_20 = arith.maximumf %broadcast_in_dim3A_16, %max3A_19 : vector<808x1xf32>
      %div3A = arith.divf %broadcast_in_dim3A, %max3A_20 : vector<808x1xf32>
      %jit3A = arith.constant 0.000000e+00 : f32
      %broadcast_in_dim3A_21 = vector.broadcast %jit3A : f32 to vector<808x1xf32>
      %select_n3A = arith.select %gt3A_18, %div3A, %broadcast_in_dim3A_21 : vector<808x1xi1>, vector<808x1xf32>
      %reduce_sum3A_22 = vector.shape_cast %select_n3A : vector<808x1xf32> to vector<1x808x1xf32>
      %reduce_sum3A_23 = arith.constant dense<0.000000e+00> : vector<1xf32>
      %reduce_sum3A_24 = vector.multi_reduction <add>, %reduce_sum3A_22, %reduce_sum3A_23 [1, 2] : vector<1x808x1xf32> to vector<1xf32>
      %reduce_sum3A_25 = vector.shape_cast %reduce_sum3A_24 : vector<1xf32> to vector<1x1x1xf32>
      %reduce_sum3A_26 = vector.extract %reduce_sum3A_25[0, 0, 0] : f32 from vector<1x1x1xf32>
      %mul3A = arith.constant 1.99298465E-5 : f32
      %mul3A_27 = arith.mulf %reduce_sum3A_26, %mul3A : f32
      %swap3A = arith.constant 0 : index
      %swap3A_28 = arith.constant 0 : index
      %swap3A_29 = memref.load %arg3[%swap3A, %swap3A_28] : memref<1x1xf32, #tpu.memory_space<smem>>
      memref.store %mul3A_27, %arg3[%swap3A, %swap3A_28] : memref<1x1xf32, #tpu.memory_space<smem>>
    } else {
    }
    return
  }
  func.func @transform_0(%arg0: i32) -> (i32, i32) {
    %c0_i32 = arith.constant 0 : i32
    %c0_i32_0 = arith.constant 0 : i32
    return %c0_i32, %arg0 : i32, i32
  }
  func.func @transform_1(%arg0: i32) -> (i32, i32) {
    %c0_i32 = arith.constant 0 : i32
    %c0_i32_0 = arith.constant 0 : i32
    return %c0_i32, %arg0 : i32, i32
  }
  func.func @transform_2(%arg0: i32) -> (i32, i32) {
    %c0_i32 = arith.constant 0 : i32
    %c0_i32_0 = arith.constant 0 : i32
    %c0_i32_1 = arith.constant 0 : i32
    return %c0_i32, %c0_i32_0 : i32, i32
  }
}

module attributes {stable_mosaic.version = 14 : i64} {
  func.func @_combine_body(%arg0: memref<32x96xf32, #tpu.memory_space<vmem>>, %arg1: memref<32x96xf32, #tpu.memory_space<vmem>>, %arg2: memref<1x1xf32, #tpu.memory_space<smem>>, %arg3: memref<1x1xf32, #tpu.memory_space<smem>>) attributes {dimension_semantics = [], scalar_prefetch = 0 : i64, scratch_operands = 0 : i64, tpu.core_type = #tpu.core_type<tc>} {
    %iota3A = tpu.iota {dimensions = array<i32: 0>} : vector<96x6xi32>
    %jit3A = arith.constant 16 : i32
    %div3A = vector.broadcast %jit3A : i32 to vector<96x6xi32>
    %div3A_0 = arith.divsi %iota3A, %div3A : vector<96x6xi32>
    %sign3A = arith.constant 0 : i32
    %sign3A_1 = vector.broadcast %sign3A : i32 to vector<96x6xi32>
    %sign3A_2 = arith.cmpi sgt, %iota3A, %sign3A_1 : vector<96x6xi32>
    %sign3A_3 = arith.extui %sign3A_2 : vector<96x6xi1> to vector<96x6xi32>
    %sign3A_4 = arith.constant 0 : i32
    %sign3A_5 = vector.broadcast %sign3A_4 : i32 to vector<96x6xi32>
    %sign3A_6 = arith.cmpi slt, %iota3A, %sign3A_5 : vector<96x6xi32>
    %sign3A_7 = arith.extui %sign3A_6 : vector<96x6xi1> to vector<96x6xi32>
    %sign3A_8 = arith.subi %sign3A_3, %sign3A_7 : vector<96x6xi32>
    %sign3A_9 = arith.constant 0 : i32
    %sign3A_10 = arith.cmpi sgt, %jit3A, %sign3A_9 : i32
    %sign3A_11 = arith.extui %sign3A_10 : i1 to i32
    %sign3A_12 = arith.constant 0 : i32
    %sign3A_13 = arith.cmpi slt, %jit3A, %sign3A_12 : i32
    %sign3A_14 = arith.extui %sign3A_13 : i1 to i32
    %sign3A_15 = arith.subi %sign3A_11, %sign3A_14 : i32
    %ne3A = vector.broadcast %sign3A_15 : i32 to vector<96x6xi32>
    %ne3A_16 = arith.cmpi ne, %sign3A_8, %ne3A : vector<96x6xi32>
    %rem3A = vector.broadcast %jit3A : i32 to vector<96x6xi32>
    %rem3A_17 = arith.remsi %iota3A, %rem3A : vector<96x6xi32>
    %ne3A_18 = arith.constant 0 : i32
    %ne3A_19 = vector.broadcast %ne3A_18 : i32 to vector<96x6xi32>
    %ne3A_20 = arith.cmpi ne, %rem3A_17, %ne3A_19 : vector<96x6xi32>
    %and3A = arith.andi %ne3A_16, %ne3A_20 : vector<96x6xi1>
    %sub3A = arith.constant 1 : i32
    %sub3A_21 = vector.broadcast %sub3A : i32 to vector<96x6xi32>
    %sub3A_22 = arith.subi %div3A_0, %sub3A_21 : vector<96x6xi32>
    %select_n3A = arith.select %and3A, %sub3A_22, %div3A_0 : vector<96x6xi1>, vector<96x6xi32>
    %iota3A_23 = tpu.iota {dimensions = array<i32: 1>} : vector<96x6xi32>
    %eq3A = arith.cmpi eq, %select_n3A, %iota3A_23 : vector<96x6xi32>
    %convert_element_type3A = arith.extui %eq3A : vector<96x6xi1> to vector<96x6xi32>
    %convert_element_type3A_24 = arith.sitofp %convert_element_type3A : vector<96x6xi32> to vector<96x6xf32>
    %get3A = arith.constant 0 : index
    %get3A_25 = arith.constant 0 : index
    %get3A_26 = vector.load %arg0[%get3A, %get3A_25] : memref<32x96xf32, #tpu.memory_space<vmem>>, vector<32x96xf32>
    %dot_general3A = arith.constant dense<0.000000e+00> : vector<32x6xf32>
    %dot_general3A_27 = tpu.matmul %get3A_26, %convert_element_type3A_24, %dot_general3A {dimension_numbers = #tpu.dot_dimension_numbers<[1], [0], [0], [1], [0, 0, 1, 1], [], []>, transpose_lhs_hint = false} : vector<32x96xf32>, vector<96x6xf32>, vector<32x6xf32> -> vector<32x6xf32>
    %get3A_28 = arith.constant 0 : index
    %get3A_29 = arith.constant 0 : index
    %get3A_30 = vector.load %arg1[%get3A_28, %get3A_29] : memref<32x96xf32, #tpu.memory_space<vmem>>, vector<32x96xf32>
    %dot_general3A_31 = arith.constant dense<0.000000e+00> : vector<32x6xf32>
    %dot_general3A_32 = tpu.matmul %get3A_30, %convert_element_type3A_24, %dot_general3A_31 {dimension_numbers = #tpu.dot_dimension_numbers<[1], [0], [0], [1], [0, 0, 1, 1], [], []>, transpose_lhs_hint = false} : vector<32x96xf32>, vector<96x6xf32>, vector<32x6xf32> -> vector<32x6xf32>
    %gt3A = arith.constant 0.000000e+00 : f32
    %gt3A_33 = vector.broadcast %gt3A : f32 to vector<32x6xf32>
    %gt3A_34 = arith.cmpf ogt, %dot_general3A_32, %gt3A_33 : vector<32x6xf32>
    %max3A = arith.constant 1.000000e+00 : f32
    %max3A_35 = vector.broadcast %max3A : f32 to vector<32x6xf32>
    %max3A_36 = arith.maximumf %dot_general3A_32, %max3A_35 : vector<32x6xf32>
    %div3A_37 = arith.divf %dot_general3A_27, %max3A_36 : vector<32x6xf32>
    %jit3A_38 = arith.constant 0.000000e+00 : f32
    %broadcast_in_dim3A = vector.broadcast %jit3A_38 : f32 to vector<32x6xf32>
    %select_n3A_39 = arith.select %gt3A_34, %div3A_37, %broadcast_in_dim3A : vector<32x6xi1>, vector<32x6xf32>
    %reduce_sum3A = vector.shape_cast %select_n3A_39 : vector<32x6xf32> to vector<1x32x6xf32>
    %reduce_sum3A_40 = arith.constant dense<0.000000e+00> : vector<1xf32>
    %reduce_sum3A_41 = vector.multi_reduction <add>, %reduce_sum3A, %reduce_sum3A_40 [1, 2] : vector<1x32x6xf32> to vector<1xf32>
    %reduce_sum3A_42 = vector.shape_cast %reduce_sum3A_41 : vector<1xf32> to vector<1x1x1xf32>
    %reduce_sum3A_43 = vector.extract %reduce_sum3A_42[0, 0, 0] : f32 from vector<1x1x1xf32>
    %mul3A = arith.constant 1.99298465E-5 : f32
    %mul3A_44 = arith.mulf %reduce_sum3A_43, %mul3A : f32
    %get3A_45 = arith.constant 0 : index
    %get3A_46 = arith.constant 0 : index
    %get3A_47 = memref.load %arg2[%get3A_45, %get3A_46] : memref<1x1xf32, #tpu.memory_space<smem>>
    %add3A = arith.addf %mul3A_44, %get3A_47 : f32
    %swap3A = arith.constant 0 : index
    %swap3A_48 = arith.constant 0 : index
    %swap3A_49 = memref.load %arg3[%swap3A, %swap3A_48] : memref<1x1xf32, #tpu.memory_space<smem>>
    memref.store %add3A, %arg3[%swap3A, %swap3A_48] : memref<1x1xf32, #tpu.memory_space<smem>>
    return
  }
}

</mosaic_0001>

<sc_bundles>
// kernel: kernel.5.cloned.1.call-start
scs
__scs_entry_jumppad:
0x0: {  	(pc) =	sbr.rel $0x88, $3  }
0x1: {  	(tag) =	ssettag $0x0;
	lr =	simm.s32 $0x1  }
0x2: {  	[smem:$0x3F9F] =	sst lr;
	_ =	strace $0xD0000000  }
0x3: {  	_ = 	snop  }
0x4: {  	_ = 	snop  }
0x5: {  	_ = 	snop  }
0x6: {  	_ = 	snop  }
0x7: {  	_ = 	snop  }
__scs_overlays_trampoline_lowered:
0x8: {  	[smem:$0x3FAE] =	sst s0  }
0x9: {  	[smem:$0x3FAF] =	sst s1  }
0xa: {  	[smem:$0x3FB0] =	sst s2  }
0xb: {  	[smem:$0x3FB1] =	sst s3  }
0xc: {  	[smem:$0x3FB2] =	sst s4  }
0xd: {  	[smem:$0x3FB3] =	sst s5  }
0xe: {  	[smem:$0x3FB4] =	sst s6  }
0xf: {  	[smem:$0x3FB5] =	sst s7  }
0x10: {  	[smem:$0x3FB6] =	sst s8  }
0x11: {  	[smem:$0x3FB7] =	sst s9;
	s0 =	simm.s32 @!p0 $0x0  }
0x12: {  	s1 =	sld [smem:$0x3F9D];
	s0 =	simm.s32 @p0 $0x1  }
0x13: {  	[smem:$0x3FB8] =	sst s0;
	s0 =	simm.s32 @!p1 $0x0  }
0x14: {  	s2 =	sld [smem:$0x3F9C];
	s0 =	simm.s32 @p1 $0x1  }
0x15: {  	[smem:$0x3FB9] =	sst s0;
	s0 =	simm.s32 @!p2 $0x0  }
0x16: {  	s3 =	sld [smem:$0x3FDB];
	s0 =	simm.s32 @p2 $0x1  }
0x17: {  	s4 =	simm.s32 $0x1BF5;
	[smem:$0x3FBB] =	sst s0  }
0x18: {  	s0 =	sld [smem:$0x3F9E];
	_ =	swait.ge [sflag:s4], $0x0  }
0x19: {  	s7 =	sld [smem:$0x3F9F]  }
0x1a: {  	s8 =	sadd.s32 $0xFFFFE003, lr  }
0x1b: {  	s9 =	sadd.s32 $0xFFFFFEF7, lr;
	s5 =	simm.s32 $0xFFFFFFFF;
	p2 =	slt.u32 s8, $0xFFFFF086  }
0x1c: {  	p1 =	slt.u32 s9, $0xF7A;
	s5 =	simm.s32 @!p2 $0x0  }
0x1d: {  	s5 =	simm.s32 @p1 $0x1;
	p0 =	seq.s32 s7, s2  }
0x1e: {  	s7 =	smul.u32 @!p0 $0xF7A, s2;
	p2 =	seq.s32 @!p0 s5, $0x0  }
0x1f: {  	s9 =	smul.u32 $0xF7A, s1;
	s8 =	simm.s32 @!p0 $0x1BF5;
	p2 =	por !p2, p0  }
0x20: {  	[sflag:s8] =	ssyncset.s32 @!p0 $0xFFFFF086;
	s6 =	sadd.s32 @!p0 s3, s7;
	s7 =	simm.s32 @!p0 $0x108  }
0x21: {  	s3 =	sadd.s32 s3, s9;
	s6 =	sadd.s32 @!p0 $0x88, s6;
	s7 =	simm.s32 @p2 $0x1082  }
0x22: {  	[simem:s7], [sflag:s8] =	dma.local @!p0 [hbm:s6], $0xF7A  }
0x23: {  	s9 =	sor.u32 $0xD0000000, s2;
	s6 =	simm.s32 $0x108;
	_ =	swait.ge @!p0 [sflag:s8], $0x0  }
0x24: {  	s3 =	sadd.s32 $0x88, s3;
	s6 =	simm.s32 @!p1 $0x1082;
	[sflag:s4] =	ssyncset.s32 $0xFFFFF086  }
0x25: {  	[simem:s6], [sflag:s4] =	dma.local [hbm:s3], $0xF7A  }
0x26: {  	[smem:$0x3F9F] =	sst s1;
	(tag) =	ssettag s2;
	_ =	strace s9  }
0x27: {  	s1 =	sld [smem:$0x3FAF]  }
0x28: {  	s2 =	sld [smem:$0x3FB0]  }
0x29: {  	s4 =	sld [smem:$0x3FB2]  }
0x2a: {  	p0 =	seq.s32 s5, $0x0;
	s5 =	sld [smem:$0x3FB3]  }
0x2b: {  	s6 =	sld [smem:$0x3FB4]  }
0x2c: {  	s7 =	sld [smem:$0x3FB5]  }
0x2d: {  	s3 =	simm.s32 $0x108;
	s8 =	sld [smem:$0x3FB6]  }
0x2e: {  	s3 =	simm.s32 @!p0 $0x1082;
	s9 =	sld [smem:$0x3FB7]  }
0x2f: {  	lr =	sadd.s32 s0, s3;
	s0 =	sld [smem:$0x3FAE]  }
0x30: {  	s3 =	sld [smem:$0x3FB1]  }
0x31: {  	[smem:$0x3FBA] =	sst s10  }
0x32: {  	s10 =	sld [smem:$0x3FB8];
	_ =	sdelay $0x3  }
0x33: {  	p0 =	seq.s32 s10, $0x1;
	s10 =	sld [smem:$0x3FBA];
	_ =	sdelay $0x3  }
0x34: {  	[smem:$0x3FBA] =	sst s10  }
0x35: {  	s10 =	sld [smem:$0x3FB9];
	_ =	sdelay $0x3  }
0x36: {  	p1 =	seq.s32 s10, $0x1;
	s10 =	sld [smem:$0x3FBA];
	_ =	sdelay $0x3  }
0x37: {  	[smem:$0x3FBA] =	sst s10  }
0x38: {  	s10 =	sld [smem:$0x3FBB]  }
0x39: {  	_ = 	snop;
	(pc) =	sbr.ind lr, $3  }
0x3a: {  	_ = 	snop  }
0x3b: {  	_ = 	snop  }
0x3c: {  	p2 =	seq.s32 s10, $0x1;
	s10 =	sld [smem:$0x3FBA]  }
0x3d: {  	_ =	shalt  }
0x3e: {  	_ =	shalt  }
0x3f: {  	_ =	shalt  }
0x40: {  	_ =	shalt  }
0x41: {  	_ =	shalt  }
0x42: {  	_ =	shalt  }
0x43: {  	_ =	shalt  }
0x44: {  	_ =	shalt  }
0x45: {  	_ =	shalt  }
0x46: {  	_ =	shalt  }
0x47: {  	_ =	shalt  }
0x48: {  	_ =	shalt  }
0x49: {  	_ =	shalt  }
0x4a: {  	_ =	shalt  }
0x4b: {  	_ =	shalt  }
0x4c: {  	_ =	shalt  }
0x4d: {  	_ =	shalt  }
0x4e: {  	_ =	shalt  }
0x4f: {  	_ =	shalt  }
0x50: {  	_ =	shalt  }
0x51: {  	_ =	shalt  }
0x52: {  	_ =	shalt  }
0x53: {  	_ =	shalt  }
0x54: {  	_ =	shalt  }
0x55: {  	_ =	shalt  }
0x56: {  	_ =	shalt  }
0x57: {  	_ =	shalt  }
0x58: {  	_ =	shalt  }
0x59: {  	_ =	shalt  }
0x5a: {  	_ =	shalt  }
0x5b: {  	_ =	shalt  }
0x5c: {  	_ =	shalt  }
0x5d: {  	_ =	shalt  }
0x5e: {  	_ =	shalt  }
0x5f: {  	_ =	shalt  }
0x60: {  	_ =	shalt  }
0x61: {  	_ =	shalt  }
0x62: {  	_ =	shalt  }
0x63: {  	_ =	shalt  }
0x64: {  	_ =	shalt  }
0x65: {  	_ =	shalt  }
0x66: {  	_ =	shalt  }
0x67: {  	_ =	shalt  }
0x68: {  	_ =	shalt  }
0x69: {  	_ =	shalt  }
0x6a: {  	_ =	shalt  }
0x6b: {  	_ =	shalt  }
0x6c: {  	_ =	shalt  }
0x6d: {  	_ =	shalt  }
0x6e: {  	_ =	shalt  }
0x6f: {  	_ =	shalt  }
0x70: {  	_ =	shalt  }
0x71: {  	_ =	shalt  }
0x72: {  	_ =	shalt  }
0x73: {  	_ =	shalt  }
0x74: {  	_ =	shalt  }
0x75: {  	_ =	shalt  }
0x76: {  	_ =	shalt  }
0x77: {  	_ =	shalt  }
0x78: {  	_ =	shalt  }
0x79: {  	_ =	shalt  }
0x7a: {  	_ =	shalt  }
0x7b: {  	_ =	shalt  }
0x7c: {  	_ =	shalt  }
0x7d: {  	_ =	shalt  }
0x7e: {  	_ =	shalt  }
0x7f: {  	_ =	shalt  }
0x80: {  	_ =	shalt  }
0x81: {  	_ =	shalt  }
0x82: {  	_ =	shalt  }
0x83: {  	_ =	shalt  }
0x84: {  	_ =	shalt  }
0x85: {  	_ =	shalt  }
0x86: {  	_ =	shalt  }
0x87: {  	_ =	shalt  }
.Lfunc_end0:
.L_simem_size_0:
called_computation_lowered:
.L_overlay_start_0:
0x88: {  	s2 =	sld [smem:$0x3FD9]  }
0x89: {  	s3 =	sld [smem:$0x3FFE];
	_ =	sdelay $0x1  }
0x8a: {  	s1 =	srdreg.scid  }
0x8b: {  	s0 =	sand.u32 $0x1, s1  }
0x8c: {  	s17 =	sshll.u32 s0, $0xA;
	s2 =	sadd.s32 s3, s2  }
0x8d: {  	s2 =	sadd.s32 s2, s17  }
0x8e: {  	[smem:$0x3FC6] =	sst s2  }
0x8f: {  	_ = 	snop  }
0x90: {  	s2 =	sld [smem:$0x3FC9]  }
0x91: {  	s18 =	sld [smem:$0x3FC8];
	(tm) =	ssettm $0x1  }
0x92: {  	s4 =	sld [smem:$0x3FFB];
	_ =	sdelay $0x3  }
0x93: {  	_ =	strace s4  }
0x94: {  	s4 =	sld [smem:$0x3FFC];
	_ =	sdelay $0x3  }
0x95: {  	_ =	strace s4  }
0x96: {  	s4 =	sld [smem:$0x3FFD];
	_ =	sdelay $0x3  }
0x97: {  	_ =	strace s4  }
0x98: {  	_ =	strace $0x8FFFFFFF  }
0x99: {  	s19 =	sld [smem:$0x3FDB];
	_ =	sdelay $0x1  }
0x9a: {  	s5 =	simm.s32 $_scs_section_size  }
0x9b: {  	s6 =	simm.s32 $_size__tile_overlayer_lowered;
	s7 =	simm.s32 $_tile_overlayer_lowered  }
0x9c: {  	s22 =	simm.s32 $0x1BFF;
	s21 =	sshll.u32 s7, $0x1;
	s4 =	sadd.s32 s5, s19  }
0x9d: {  	s8 =	simm.s32 $0x0;
	s20 =	sshll.u32 s6, $0x1;
	s6 =	sadd.s32 s21, s4  }
0x9e: {  	[timem:s8], [sflag:s22] =	dma.local [hbm:s6], s20  }
0x9f: {  	_ =	swait.ge [sflag:s22], s20  }
0xa0: {  	s5 =	ssub.s32 $0x0, s20;
	[sflag:s22] =	ssyncset.done $0x0  }
0xa1: {  	[sflag:s22] =	ssyncadd.s32 s5;
	_ =	sdelay $0x1  }
0xa2: {  	s23 =	simm.s32 $0x1B8B  }
0xa3: {  	_ =	swait.ge [sflag:s23], $0x1  }
0xa4: {  	[sflag:s23] =	ssyncset.done $0x0  }
0xa5: {  	s25 =	simm.s32 $0x1B8E;
	s24 =	sld [smem:$0x3FFE];
	[sflag:s23] =	ssyncadd.s32 $0xFFFFFFFF  }
0xa6: {  	s26 =	simm.s32 $execute0_lowered;
	[smem:$0x3FD2] =	sst s25  }
0xa7: {  	s6 =	sshll.u32 s26, $0x1;
	_ =	strace $0x80000046;
	[dreg:$0x1] =	wrdreg $0xFFFFFFFF  }
0xa8: {  	s28 =	simm.s32 $_size_execute0_lowered;
	s4 =	sadd.s32 s4, s6;
	[dreg:$0x0] =	wrdreg $0x0  }
0xa9: {  	s6 =	sshll.u32 s28, $0x1;
	[dreg:$0x2] =	wrdreg s4  }
0xaa: {  	[dreg:$0x3] =	wrdreg s6  }
0xab: {  	[dreg:$0x4] =	wrdreg $0xC0  }
0xac: {  	_ =	task [dreg:s8], $0x5FFFF  }
0xad: {  	[dreg:$0x1] =	wrdreg $0xFFFFFFFF  }
0xae: {  	[dreg:$0x0] =	wrdreg $0x60  }
0xaf: {  	[dreg:$0x2] =	wrdreg s2  }
0xb0: {  	[dreg:$0x3] =	wrdreg s18  }
0xb1: {  	[dreg:$0x4] =	wrdreg s24  }
0xb2: {  	[dreg:$0x5] =	wrdreg $0x9  }
0xb3: {  	_ =	task.clear_ibuf [dreg:s8], $0x6FFFF;
	_ =	strace $0x90000046  }
0xb4: {  	s29 =	simm.s32 $0x9;
	_ =	strace $0x80000048  }
0xb5: {  	_ =	swait.ge [sflag:s29], $0x1  }
0xb6: {  	[sflag:s29] =	ssyncadd.s32 $0xFFFFFFFF  }
0xb7: {  	_ =	strace $0x90000048  }
0xb8: {  	_ =	sfence  }
0xb9: {  	s30 =	sld [smem:$0x0];
	_ =	sdelay $0x2  }
0xba: {  	s31 =	sshll.u32 s1, $0xD;
	s1 =	sshrl.u32 s1, $0x2  }
0xbb: {  	s3 =	sand.u32 $0x4000, s31;
	s1 =	sadd.s32 s1, s30  }
0xbc: {  	s0 =	sor.u32 s3, s0;
	s1 =	sshll.u32 s1, $0x11  }
0xbd: {  	s0 =	sor.u32 s1, s0  }
0xbe: {  	s0 =	sadd.s32 $0x8F2B, s0  }
0xbf: {  	[sflag:s0] =	ssyncadd.remote.s32 $0x1  }
0xc0: {  	_ =	sfence.sel $0xFFFF  }
0xc1: {  	[dreg:$0x0] =	wrdreg $0xFFFFFFFF;
	(pc) =	sbr.abs _section_cstart, $3  }
0xc2: {  	[dreg:$0x1] =	wrdreg $0xFFFFFFFF  }
0xc3: {  	_ =	task.clear_ibuf [dreg:s8], $0x2FFFF;
	_ =	strace $0x9FFFFFFF  }
0xc4: {  	(tm) =	ssettm $0x7FFFFFFF  }
0xc5: {  	_ =	shalt  }
tec
execute0_lowered:
.L_overlay_start_1:
0x0: {  	(tag) =	ssettag $0x1  }
0x1: {  	s1 =	rddreg [dreg:$0x0]  }
0x2: {  	s2 =	rddreg [dreg:$0x1]  }
0x3: {  	s5 =	rddreg [dreg:$0x2]  }
0x4: {  	s0 =	rddreg [dreg:$0x3]  }
0x5: {  	s4 =	simm.s32 $0x0;
	s6 =	srdreg.scid;
	s3 =	stileid.u32  }
0x6: {  	s11 =	simm.s32 $0x400;
	s12 =	simm.s32 $0x1;
	s13 =	simm.s32 $0x4000  }
0x7: {  	s14 =	simm.s32 $0x8000;
	s15 =	simm.s32 $0x8080;
	s16 =	simm.s32 $0x0  }
0x8: {  	s20 =	simm.s32 $0x0;
	[smem:$0x7FF] =	sst s4;
	s6 =	sand.u32 $0x1, s6  }
0x9: {  	s7 =	sshll.u32 s3, $0x5;
	s8 =	sshll.u32 s6, $0x4;
	s6 =	ssub.s32 $0x2, s6  }
0xa: {  	s31 =	sshll.u32 s3, $0xC;
	s7 =	sor.u32 s8, s7;
	s30 =	sshrl.u32 s6, $0x1  }
0xb: {  	_ =	strace $0x80000047;
	s9 =	sadd.s32 s7, s5;
	s10 =	ssub.s32 s6, s30  }
0xc: {  	s5 =	sadd.s32 $0x194000, s31;
	s6 =	sand.u32 $0x70, s7;
	s7 =	sadd.s32 $0xC00, s9  }
0xd: {  	v0 =	vimm.f32 $0.0e+00;
	s8 =	sadd.s32 $0xE00, s9;
	s9 =	smax.u32 s10, $0x1;
	s10 =	simm.s32 $0x80  }
.LBB2_1:
0xe: {  	s17 =	simm.s32 $0x0  }
.LBB2_2:
0xf: {  	s18 =	sshll.u32 s17, $0x10  }
0x10: {  	s18 =	sadd.s32 s18, s5  }
0x11: {  	s18 =	sand.u32 $0xFFFC000, s18  }
0x12: {  	s18 =	sor.u32 s6, s18  }
0x13: {  	s19 =	sadd.s32 s1, s18  }
0x14: {  	[tilespmem:s20], [sflag:$0x1] =	stream.strided.gather [hbm4b:s19+s10], $0x4000, s11, s10, $0x38;
	[tilespmem:$0x8100] =	vst v63  }
0x15: {  	_ =	swait.ge [sflag:s12], $0x4000  }
0x16: {  	[sflag:s12] =	ssyncset.done $0x0  }
0x17: {  	s18 =	sadd.s32 s2, s18;
	[sflag:s12] =	ssyncadd.s32 $0xFFFFC000  }
0x18: {  	[tilespmem:s13], [sflag:$0x1] =	stream.strided.gather [hbm4b:s18+s10], $0x4000, s11, s10, $0x38;
	[tilespmem:$0x8100] =	vst v63  }
0x19: {  	_ =	swait.ge [sflag:s12], $0x4000  }
0x1a: {  	[sflag:s12] =	ssyncset.done $0x0  }
0x1b: {  	s31 =	simm.s32 $0x0;
	[sflag:s12] =	ssyncadd.s32 $0xFFFFC000  }
0x1c: {  	v1 =	vld [tilespmem:s31+$0x4040]  }
0x1d: {  	v2 =	vld [tilespmem:s31+$0x4070]  }
0x1e: {  	v3 =	vld [tilespmem:s31+$0x4050]  }
0x1f: {  	v5 =	vld [tilespmem:s31+$0x40]  }
0x20: {  	v4 =	vld [tilespmem:s31+$0x50]  }
0x21: {  	v6 =	vld [tilespmem:s31+$0x70]  }
0x22: {  	v9 =	vld [tilespmem:s31+$0x0]  }
0x23: {  	v10 =	vld [tilespmem:s31+$0x4060]  }
0x24: {  	v11 =	vld [tilespmem:s31+$0x60]  }
0x25: {  	v12 =	vld [tilespmem:s31+$0x4000]  }
0x26: {  	v15 =	vld [tilespmem:s31+$0x4020]  }
0x27: {  	v8 =	vld [tilespmem:s31+$0x20]  }
0x28: {  	v14 =	vld [tilespmem:s31+$0x4010];
	v13 =	vsub.f32 v4, v3  }
0x29: {  	s18 =	simm.s32 $0x80;
	v7 =	vld [tilespmem:s31+$0x10];
	v4 =	vimm.f32 $0.0e+00;
	vm0 =	vgt.f32 v1, $0.0e+00;
	v6 =	vsub.f32 v6, v2  }
0x2a: {  	v21 =	vld [tilespmem:s18+$0x4050];
	v5 =	vsub.f32 v5, v1;
	vm1 =	vgt.f32 v3, $0.0e+00;
	vm2 =	vgt.f32 v2, $0.0e+00  }
0x2b: {  	v9 =	vsub.f32 v9, v12;
	v11 =	vsub.f32 v11, v10;
	vm3 =	vgt.f32 v15, $0.0e+00  }
0x2c: {  	v8 =	vsub.f32 v8, v15;
	v1 =	vsel vm1, $0x3F800000, v0;
	v16 =	vsel vm2, $0x3F800000, v0  }
0x2d: {  	vm1 =	vgt.f32 v12, $0.0e+00;
	v19 =	vsel vm0, $0x3F800000, v0;
	vm0 =	vgt.f32 v14, $0.0e+00  }
0x2e: {  	v17 =	vld [tilespmem:s18+$0x4070];
	v14 =	vsub.f32 v7, v14;
	vm2 =	vgt.f32 v10, $0.0e+00;
	v23 =	vsel vm3, $0x3F800000, v0  }
0x2f: {  	v3 =	vld [tilespmem:s31+$0x4030];
	vm3 =	vgt.f32 v21, $0.0e+00;
	v13 =	vmul.f32 v13, v13;
	v6 =	vmul.f32 v6, v6  }
0x30: {  	v12 =	vld [tilespmem:s31+$0x30];
	v5 =	vmul.f32 v5, v5;
	v18 =	vsel vm1, $0x3F800000, v0;
	v8 =	vmul.f32 v8, v8  }
0x31: {  	v10 =	vld [tilespmem:s18+$0x70];
	v25 =	vadd.f32 v23, v4;
	v30 =	vmul.f32 v14, v14;
	v2 =	vmul.f32 v1, v13  }
0x32: {  	v20 =	vld [tilespmem:s18+$0x40];
	v27 =	vadd.f32 v18, v4;
	v29 =	vmul.f32 v16, v6;
	v7 =	vmul.f32 v19, v5  }
0x33: {  	v32 =	vsel vm0, $0x3F800000, v0;
	v13 =	vld [tilespmem:s18+$0x4040];
	v5 =	vmul.f32 v11, v11;
	v11 =	vmul.f32 v9, v9  }
0x34: {  	v6 =	vld [tilespmem:s18+$0x50];
	v26 =	vmul.f32 v23, v8;
	vm1 =	vgt.f32 v3, $0.0e+00;
	v27 =	vadd.f32 v19, v27  }
0x35: {  	v19 =	vimm.f32 $0.0e+00;
	v22 =	vsel vm1, $0x3F800000, v0;
	v3 =	vsub.f32 v12, v3  }
0x36: {  	v31 =	vld [tilespmem:s18+$0x4000];
	v12 =	vsel vm2, $0x3F800000, v0;
	vm2 =	vgt.f32 v17, $0.0e+00;
	v17 =	vsub.f32 v10, v17  }
0x37: {  	v28 =	vld [tilespmem:s18+$0x0];
	v11 =	vmul.f32 v18, v11;
	v9 =	vadd.f32 v22, v4;
	v15 =	vmul.f32 v12, v5  }
0x38: {  	v10 =	vadd.f32 v12, v25;
	v12 =	vld [tilespmem:s18+$0x4060];
	v24 =	vsub.f32 v20, v13;
	v20 =	vmul.f32 v3, v3  }
0x39: {  	v5 =	vsel vm3, $0x3F800000, v0;
	v25 =	vadd.f32 v11, v4;
	v14 =	vsub.f32 v6, v21;
	v6 =	vld [tilespmem:s18+$0x20]  }
0x3a: {  	vm1 =	vgt.f32 v13, $0.0e+00;
	v3 =	vsel vm2, $0x3F800000, v0;
	v21 =	vmul.f32 v22, v20;
	v22 =	vld [tilespmem:s18+$0x60]  }
0x3b: {  	v9 =	vadd.f32 v16, v9;
	vm2 =	vgt.f32 v31, $0.0e+00;
	v23 =	vmul.f32 v24, v24;
	v24 =	vld [tilespmem:s18+$0x4010]  }
0x3c: {  	v16 =	vld [tilespmem:s18+$0x4030];
	v8 =	vsel vm1, $0x3F800000, v0;
	v18 =	vmul.f32 v14, v14;
	v11 =	vadd.f32 v21, v4  }
0x3d: {  	v13 =	vld [tilespmem:s18+$0x10];
	v14 =	vmul.f32 v17, v17;
	v21 =	vsub.f32 v28, v31;
	v28 =	vmul.f32 v32, v30  }
0x3e: {  	s19 =	simm.s32 $0x400;
	v20 =	vadd.f32 v32, v4;
	v17 =	vld [tilespmem:s18+$0x4020];
	v18 =	vmul.f32 v5, v18;
	v11 =	vadd.f32 v29, v11  }
.LBB2_3:
0x3f: {  	p0 =	sne.s32 s19, $0xFE00;
	v29 =	vld [tilespmem:s18+$0x30];
	s18 =	sshra.s32 s19, $0x2;
	s19 =	sadd.s32 $0x200, s19;
	v4 =	vadd.f32 v28, v4;
	v19 =	vadd.f32 v26, v19  }
0x40: {  	v22 =	vsub.f32 v22, v12;
	v25 =	vadd.f32 v7, v25;
	v26 =	vld [tilespmem:s18+$0x4040];
	vm0 =	vgt.f32 v24, $0.0e+00  }
0x41: {  	v30 =	vsel vm2, $0x3F800000, v0;
	vm1 =	vgt.f32 v16, $0.0e+00;
	v28 =	vld [tilespmem:s18+$0x4070];
	v19 =	vadd.f32 v15, v19  }
0x42: {  	v32 =	vmul.f32 v3, v14;
	v27 =	vadd.f32 v30, v27;
	v24 =	vsub.f32 v13, v24;
	v31 =	vld [tilespmem:s18+$0x4050]  }
0x43: {  	v7 =	vmul.f32 v8, v23;
	v33 =	vsel vm1, $0x3F800000, v0;
	v4 =	vadd.f32 v2, v4;
	v2 =	vmovc v18;
	v14 =	vld [tilespmem:s18+$0x40]  }
0x44: {  	vm2 =	vgt.f32 v12, $0.0e+00;
	v20 =	vadd.f32 v1, v20;
	v1 =	vmovc v5;
	v15 =	vmul.f32 v22, v22;
	v18 =	vld [tilespmem:s18+$0x50]  }
0x45: {  	vm3 =	vgt.f32 v17, $0.0e+00;
	v5 =	vsub.f32 v29, v16;
	vm1 =	vgt.f32 v26, $0.0e+00;
	v23 =	vld [tilespmem:s18+$0x70]  }
0x46: {  	v21 =	vmul.f32 v21, v21;
	v16 =	vsub.f32 v6, v17;
	v17 =	vsel vm2, $0x3F800000, v0;
	v6 =	vld [tilespmem:s18+$0x20]  }
0x47: {  	v9 =	vadd.f32 v33, v9;
	v29 =	vsel vm3, $0x3F800000, v0;
	vm2 =	vgt.f32 v28, $0.0e+00;
	v13 =	vld [tilespmem:s18+$0x10]  }
0x48: {  	vm3 =	vgt.f32 v31, $0.0e+00;
	v34 =	vld [tilespmem:s18+$0x0];
	v35 =	vsub.f32 v14, v26;
	v14 =	vmul.f32 v5, v5  }
0x49: {  	v10 =	vadd.f32 v29, v10;
	v15 =	vmul.f32 v17, v15;
	v26 =	vmul.f32 v16, v16;
	v12 =	vld [tilespmem:s18+$0x4060]  }
0x4a: {  	v5 =	vsel vm3, $0x3F800000, v0;
	v22 =	vld [tilespmem:s18+$0x60];
	v23 =	vsub.f32 v23, v28;
	v28 =	vmul.f32 v24, v24  }
0x4b: {  	v9 =	vadd.f32 v3, v9;
	v3 =	vsel vm2, $0x3F800000, v0;
	v18 =	vsub.f32 v18, v31;
	v36 =	vld [tilespmem:s18+$0x4000]  }
0x4c: {  	v21 =	vmul.f32 v30, v21;
	v10 =	vadd.f32 v17, v10;
	v30 =	vmul.f32 v33, v14;
	v16 =	vld [tilespmem:s18+$0x4030]  }
.Ltmp0:
0x4d: {  	v31 =	vsel vm0, $0x3F800000, v0;
	v18 =	vmul.f32 v18, v18;
	v14 =	vmul.f32 v23, v23;
	v17 =	vld [tilespmem:s18+$0x4020];
	(pc) =	sbr.rel @p0 .LBB2_3-.Ltmp0, $4  }
0x4e: {  	v25 =	vadd.f32 v21, v25;
	v20 =	vadd.f32 v31, v20;
	v26 =	vmul.f32 v29, v26;
	v24 =	vld [tilespmem:s18+$0x4010]  }
0x4f: {  	v23 =	vmul.f32 v35, v35;
	v11 =	vadd.f32 v30, v11;
	v18 =	vmul.f32 v5, v18  }
0x50: {  	v28 =	vmul.f32 v31, v28;
	v21 =	vsub.f32 v34, v36;
	vm2 =	vgt.f32 v36, $0.0e+00  }
0x51: {  	v27 =	vadd.f32 v8, v27;
	v8 =	vsel vm1, $0x3F800000, v0;
	v11 =	vadd.f32 v32, v11  }
0x52: {  	v19 =	vadd.f32 v26, v19  }
0x53: {  	v4 =	vadd.f32 v28, v4;
	v22 =	vsub.f32 v22, v12  }
0x54: {  	v7 =	vadd.f32 v7, v25;
	v51 =	vsel vm2, $0x3F800000, v0;
	vm1 =	vgt.f32 v16, $0.0e+00  }
0x55: {  	v23 =	vmul.f32 v8, v23;
	vm14 =	vgt.f32 v12, $0.0e+00;
	v1 =	vadd.f32 v1, v20  }
0x56: {  	vm15 =	vgt.f32 v17, $0.0e+00;
	v55 =	vmul.f32 v21, v21;
	v6 =	vsub.f32 v6, v17  }
0x57: {  	v29 =	vld [tilespmem:s18+$0x30];
	vm0 =	vgt.f32 v24, $0.0e+00;
	v52 =	vadd.f32 v51, v27;
	v13 =	vsub.f32 v13, v24  }
0x58: {  	v53 =	vsel vm1, $0x3F800000, v0;
	v56 =	vsel vm15, $0x3F800000, v0;
	v59 =	vsel vm14, $0x3F800000, v0  }
0x59: {  	v15 =	vadd.f32 v15, v19;
	v2 =	vadd.f32 v2, v4;
	v6 =	vmul.f32 v6, v6  }
0x5a: {  	v12 =	vmul.f32 v51, v55;
	v57 =	vsel vm0, $0x3F800000, v0;
	v13 =	vmul.f32 v13, v13  }
0x5b: {  	v9 =	vadd.f32 v53, v9;
	v10 =	vadd.f32 v56, v10;
	v58 =	vmul.f32 v22, v22  }
0x5c: {  	v1 =	vadd.f32 v57, v1;
	v54 =	vsub.f32 v29, v16;
	v13 =	vmul.f32 v57, v13  }
0x5d: {  	v61 =	vadd.f32 v8, v52;
	v7 =	vadd.f32 v12, v7;
	v6 =	vmul.f32 v56, v6  }
0x5e: {  	v63 =	vadd.f32 v59, v10;
	v4 =	vmul.f32 v54, v54;
	v2 =	vadd.f32 v13, v2  }
0x5f: {  	v60 =	vmul.f32 v59, v58;
	v1 =	vadd.f32 v5, v1;
	v6 =	vadd.f32 v6, v15  }
0x60: {  	v7 =	vadd.f32 v23, v7;
	v4 =	vmul.f32 v53, v4;
	v2 =	vadd.f32 v18, v2  }
0x61: {  	v1 =	vadd.f32 v1, v61;
	v6 =	vadd.f32 v60, v6  }
0x62: {  	v62 =	vmul.f32 v3, v14;
	s31 =	sshll.u32 s17, $0x4;
	s17 =	sadd.s32 $0x1, s17;
	v4 =	vadd.f32 v4, v11;
	v2 =	vadd.f32 v2, v7  }
0x63: {  	p0 =	sne.s32 s17, $0x6;
	v3 =	vadd.f32 v3, v9;
	v1 =	vadd.f32 v63, v1  }
.Ltmp1:
0x64: {  	v4 =	vadd.f32 v62, v4;
	v2 =	vadd.f32 v6, v2;
	(pc) =	sbr.rel @p0 .LBB2_2-.Ltmp1, $4  }
0x65: {  	v1 =	vadd.f32 v3, v1  }
0x66: {  	v2 =	vadd.f32 v4, v2  }
0x67: {  	[tilespmem:s31+$0x8080] =	vst v1  }
0x68: {  	[tilespmem:s31+$0x8000] =	vst v2  }
0x69: {  	[hbm4b:s7+s4] =	stream.linear.scatter [tilespmem:s14], [sflag:$0x1], $0x80, $0x38;
	[tilespmem:$0x8100] =	vst v63  }
0x6a: {  	s16 =	sadd.s32 $0x1, s16;
	_ =	swait.ge [sflag:s12], $0x80  }
0x6b: {  	p0 =	sne.s32 s16, s9;
	[sflag:s12] =	ssyncset.done $0x0  }
.Ltmp2:
0x6c: {  	[sflag:s12] =	ssyncadd.s32 $0xFFFFFF80;
	(pc) =	sbr.rel @p0 .LBB2_1-.Ltmp2, $4  }
0x6d: {  	[hbm4b:s8+s4] =	stream.linear.scatter [tilespmem:s15], [sflag:$0x1], $0x80, $0x38;
	[tilespmem:$0x8100] =	vst v63  }
0x6e: {  	_ =	swait.ge [sflag:s12], $0x80  }
0x6f: {  	[sflag:s12] =	ssyncset.done $0x0  }
0x70: {  	[sflag:s12] =	ssyncadd.s32 $0xFFFFFF80  }
0x71: {  	_ =	sfence.sel $0x180000  }
0x72: {  	[bflag:$0x0] =	sbarrier.arrive $0xFFFF  }
0x73: {  	p0 =	sne.s32 s3, $0x0;
	_ =	strace $0x90000047  }
0x74: {  	s0 =	sadd.s32 @!p0 $0x100000, s0;
	[bflag:$0x2] =	sbarrier.arrive $0xFFFF  }
0x75: {  	[sflag:s0] =	ssyncadd.tile.s32 @!p0 $0x1;
	_ =	shalt  }
.Lfunc_end2:
_tile_overlayer_lowered:
.L_overlay_start_2:
0x76: {  	(tag) =	ssettag $0x2  }
0x77: {  	s0 =	rddreg [dreg:$0x0];
	s2 =	stileid.u32  }
0x78: {  	s1 =	rddreg [dreg:$0x1];
	p0 =	sne.s32 s2, $0x0  }
0x79: {  	s3 =	rddreg [dreg:$0x2];
	[bflag:$0x3] =	sbarrier.arrive $0xFFFF;
	s2 =	simm.s32 @!p0 $0x1C01  }
0x7a: {  	[timem:s3], [sflag:s2] =	dma.local @!p0 [hbm:s0], s1  }
0x7b: {  	s0 =	simm.s32 @!p0 $0x1  }
0x7c: {  	_ =	swait.ge @!p0 [sflag:s0], s1  }
0x7d: {  	s1 =	ssub.s32 @!p0 $0x0, s1;
	[sflag:s0] =	ssyncset.done @!p0 $0x0  }
0x7e: {  	[sflag:s0] =	ssyncadd.s32 @!p0 s1  }
0x7f: {  	[bflag:$0x3] =	sbarrier.arrive $0xFFFF  }
0x80: {  	_ =	shalt  }

</sc_bundles>
